<compile_context>
chip_gen: v7x
topology: tpu7x:2x2x1
jax: 0.10.2.dev20260603
libtpu: 0.0.44.dev20260713+nightly
codegen_flags: <defaults>
</compile_context>

<pallas_src>
import functools

import jax
import jax.numpy as jnp
from jax import lax
from jax.experimental import pallas as pl
from jax.experimental.pallas import tpu as pltpu
from jax.experimental.pallas import tpu_sc as plsc

VOCAB = 1000000
HIDDEN = 64
XROWS, XCOLS = 4096, 200
NC, NS = 2, 16
NW = NC * NS
XR_PER_W = XROWS // NW

SPLITS = ((0, 104), (104, 96))
CH_R = 2
N_CHUNKS = XR_PER_W // CH_R

HALF_V = 524288
BC = 16384
NB = HALF_V // BC
LAST_B = (VOCAB + BC - 1) // BC - 1


def _repack_body(a_ref, b_ref, o_ref):
    o_ref[...] = jnp.concatenate([a_ref[...].T, b_ref[...].T], axis=-1)


_repack = pl.pallas_call(
    _repack_body,
    grid=(NB,),
    in_specs=[
        pl.BlockSpec((HIDDEN, BC), lambda i: (0, i)),
        pl.BlockSpec((HIDDEN, BC), lambda i: (0, jnp.minimum(i + NB, LAST_B))),
    ],
    out_specs=pl.BlockSpec((BC, 128), lambda i: (i, 0)),
    out_shape=jax.ShapeDtypeStruct((HALF_V, 128), jnp.float32),
    compiler_params=pltpu.CompilerParams(vmem_limit_bytes=100 * 1024 * 1024),
)


def _emb_body(x_hbm, table_hbm, out_hbm, idx_all, rows_v, sem_g0, sem_g1,
              sem_g2, sem_s0, sem_s1, sem_s2):
    wid = lax.axis_index("s") * NC + lax.axis_index("c")
    xrow0 = wid * XR_PER_W
    sem_g = (sem_g0, sem_g1, sem_g2)
    sem_s = (sem_s0, sem_s1, sem_s2)

    pltpu.sync_copy(x_hbm.at[pl.ds(xrow0, XR_PER_W)], idx_all)

    def fire_gathers(c, b):
        for rr in range(CH_R):
            for off, ln in SPLITS:
                pltpu.async_copy(
                    table_hbm.at[idx_all.at[c * CH_R + rr, pl.ds(off, ln)]],
                    rows_v.at[b, rr, pl.ds(off, ln)],
                    sem_g[b],
                )

    def wait_gathers(b):
        for rr in range(CH_R):
            for off, ln in SPLITS:
                pltpu.make_async_copy(
                    table_hbm.at[idx_all.at[rr, pl.ds(off, ln)]],
                    rows_v.at[b, rr, pl.ds(off, ln)],
                    sem_g[b],
                ).wait()

    def start_store(c, b):
        pltpu.async_copy(
            rows_v.at[b],
            out_hbm.at[pl.ds(xrow0 + c * CH_R, CH_R), slice(None), pl.ds(0, HIDDEN)],
            sem_s[b],
        )

    def wait_store(b):
        pltpu.make_async_copy(
            rows_v.at[b],
            out_hbm.at[pl.ds(xrow0, CH_R), slice(None), pl.ds(0, HIDDEN)],
            sem_s[b],
        ).wait()

    def steady(c, b_cur, b_next):
        wait_store(b_next)
        fire_gathers(c + 2, b_next)
        wait_gathers(b_cur)
        start_store(c, b_cur)

    fire_gathers(0, 0)
    fire_gathers(1, 1)
    fire_gathers(2, 2)
    wait_gathers(0)
    start_store(0, 0)
    wait_store(0)
    fire_gathers(3, 0)
    wait_gathers(1)
    start_store(1, 1)

    def chunk_triple(i, _):
        c0 = 2 + 3 * i
        steady(c0, 2, 1)
        steady(c0 + 1, 0, 2)
        steady(c0 + 2, 1, 0)
        return ()

    lax.fori_loop(0, (N_CHUNKS - 4) // 3, chunk_triple, ())

    wait_store(1)
    wait_gathers(2)
    start_store(N_CHUNKS - 2, 2)
    wait_gathers(0)
    start_store(N_CHUNKS - 1, 0)
    wait_store(2)
    wait_store(0)


_emb = functools.partial(
    pl.kernel,
    mesh=plsc.VectorSubcoreMesh(core_axis_name="c", subcore_axis_name="s"),
    out_type=jax.ShapeDtypeStruct((XROWS, XCOLS, 128), jnp.float32),
    scratch_types=[
        pltpu.VMEM((XR_PER_W, XCOLS), jnp.int32),
        pltpu.VMEM((3, CH_R, XCOLS, HIDDEN), jnp.float32),
        pltpu.SemaphoreType.DMA,
        pltpu.SemaphoreType.DMA,
        pltpu.SemaphoreType.DMA,
        pltpu.SemaphoreType.DMA,
        pltpu.SemaphoreType.DMA,
        pltpu.SemaphoreType.DMA,
    ],
    compiler_params=pltpu.CompilerParams(use_tc_tiling_on_sc=False),
)(_emb_body)


def kernel(x, table):
    packed = _repack(table.T, table.T)
    t64 = packed.reshape(2 * HALF_V, HIDDEN)
    xm = jnp.where(x < HALF_V, x * 2, (x - HALF_V) * 2 + 1)
    return _emb(xm, t64)[:, :, :HIDDEN]

# --- scband reference (transcript-rebuilt; emitter-appended) ---
"""Pipeline reference for scband-embedding-9603546874178 (READ-ONLY COPY).

The authoritative reference and input builder live on the scoring server;
editing this copy changes nothing except your own understanding.
"""

import jax, jax.numpy as jnp
import numpy as np

VOCAB = 1000000
HIDDEN = 64

def setup_inputs(seed: int = 0) -> dict:
    key = jax.random.key(seed)
    k1, k2 = jax.random.split(key)
    x = jax.random.randint(k1, (4096, 200), 0, VOCAB, dtype=jnp.int64 if jax.config.jax_enable_x64 else jnp.int32)
    table = jax.random.normal(k2, (VOCAB, HIDDEN), dtype=jnp.float32)
    return {"x": x, "table": table}

def reference(x, table):
    # nn.Embedding lookup; dropout=0.0 is identity in eval/train with p=0
    out = jnp.take(table, x, axis=0)
    return out

if __name__ == "__main__":
    import jax
    _d = setup_inputs()
    print(jax.jit(kernel)(*tuple(_d.values())))

</pallas_src>

<mosaic_0001>
#map = affine_map<(d0, d1) -> (0, 0)>
#map1 = affine_map<(d0, d1) -> (0, 0, 0)>
module attributes {stable_mosaic.version = 14 : i64} {
  func.func @_emb_body(%arg0: i32, %arg1: i32, %arg2: memref<4096x200xi32, #tpu.memory_space<hbm>>, %arg3: memref<1048576x64xf32, #tpu.memory_space<hbm>>, %arg4: memref<4096x200x128xf32, #tpu.memory_space<hbm>>, %arg5: memref<128x200xi32, #tpu.memory_space<vmem>>, %arg6: memref<3x2x200x64xf32, #tpu.memory_space<vmem>>, %arg7: memref<!tpu.dma_semaphore, #tpu.memory_space<semaphore_mem>>, %arg8: memref<!tpu.dma_semaphore, #tpu.memory_space<semaphore_mem>>, %arg9: memref<!tpu.dma_semaphore, #tpu.memory_space<semaphore_mem>>, %arg10: memref<!tpu.dma_semaphore, #tpu.memory_space<semaphore_mem>>, %arg11: memref<!tpu.dma_semaphore, #tpu.memory_space<semaphore_mem>>, %arg12: memref<!tpu.dma_semaphore, #tpu.memory_space<semaphore_mem>>) attributes {dimension_semantics = [#tpu.dimension_semantics<core_parallel>, #tpu.dimension_semantics<subcore_parallel>], iteration_bounds = array<i64: 2, 16>, scalar_prefetch = 0 : i64, scratch_operands = 8 : i64, tpu.core_type = #tpu.core_type<sc_vector_subcore>, window_params = [{transform_indices = #map}, {transform_indices = #map}, {transform_indices = #map1}]} {
    %mul3A = arith.constant 2 : i32
    %mul3A_0 = arith.muli %arg1, %mul3A : i32
    %add3A = arith.addi %mul3A_0, %arg0 : i32
    %mul3A_1 = arith.constant 128 : i32
    %mul3A_2 = arith.muli %add3A, %mul3A_1 : i32
    "tpu.region"() ({
      %run_scoped3A = tpu.sem_alloc : memref<!tpu.dma_semaphore, #tpu.memory_space<semaphore_mem>>
      %dma_start3A_565 = arith.constant 0 : i32
      %dma_start3A_566 = tpu.memref_slice %arg2[%mul3A_2, %dma_start3A_565] : memref<4096x200xi32, #tpu.memory_space<hbm>> -> memref<128x200xi32, #tpu.memory_space<hbm>>
      %dma_start3A_567 = arith.constant 0 : i32
      %dma_start3A_568 = tpu.memref_slice %arg2[%mul3A_2, %dma_start3A_567] : memref<4096x200xi32, #tpu.memory_space<hbm>> -> memref<128x200xi32, #tpu.memory_space<hbm>>
      tpu.enqueue_dma source(%dma_start3A_568 : memref<128x200xi32, #tpu.memory_space<hbm>>) target(%arg5 : memref<128x200xi32, #tpu.memory_space<vmem>>) target_semaphore(%run_scoped3A : memref<!tpu.dma_semaphore, #tpu.memory_space<semaphore_mem>>)
      %dma_wait3A_569 = arith.constant 0 : i32
      %dma_wait3A_570 = tpu.memref_slice %arg2[%mul3A_2, %dma_wait3A_569] : memref<4096x200xi32, #tpu.memory_space<hbm>> -> memref<128x200xi32, #tpu.memory_space<hbm>>
      %dma_wait3A_571 = arith.constant 0 : i32
      %dma_wait3A_572 = tpu.memref_slice %arg2[%mul3A_2, %dma_wait3A_571] : memref<4096x200xi32, #tpu.memory_space<hbm>> -> memref<128x200xi32, #tpu.memory_space<hbm>>
      tpu.wait_dma2 semaphore(%run_scoped3A : memref<!tpu.dma_semaphore, #tpu.memory_space<semaphore_mem>>) src(%dma_wait3A_572 : memref<128x200xi32, #tpu.memory_space<hbm>>) dst(%arg5 : memref<128x200xi32, #tpu.memory_space<vmem>>)
      tpu.yield
    }) : () -> ()
    %dma_start3A = arith.constant 0 : i32
    %dma_start3A_3 = arith.constant 0 : i32
    %dma_start3A_4 = arith.constant 0 : i32
    %dma_start3A_5 = arith.constant 0 : i32
    %dma_start3A_6 = arith.constant 0 : i32
    %dma_start3A_7 = tpu.memref_slice %arg6[%dma_start3A_3, %dma_start3A_4, %dma_start3A_5, %dma_start3A_6] : memref<3x2x200x64xf32, #tpu.memory_space<vmem>> -> memref<1x1x104x64xf32, #tpu.memory_space<vmem>>
    %dma_start3A_8 = tpu.memref_squeeze %dma_start3A_7 : memref<1x1x104x64xf32, #tpu.memory_space<vmem>> -> memref<104x64xf32, #tpu.memory_space<vmem>>
    %dma_start3A_9 = arith.constant 0 : i32
    %dma_start3A_10 = tpu.memref_slice %arg5[%dma_start3A, %dma_start3A_9] : memref<128x200xi32, #tpu.memory_space<vmem>> -> memref<1x104xi32, #tpu.memory_space<vmem>>
    %dma_start3A_11 = tpu.memref_squeeze %dma_start3A_10 : memref<1x104xi32, #tpu.memory_space<vmem>> -> memref<104xi32, #tpu.memory_space<vmem>>
    %dma_start3A_12 = arith.constant 0 : i32
    %dma_start3A_13 = arith.constant 0 : i32
    %dma_start3A_14 = tpu.memref_slice %arg3[%dma_start3A_12, %dma_start3A_13] : memref<1048576x64xf32, #tpu.memory_space<hbm>> -> memref<1048576x64xf32, #tpu.memory_space<hbm>>
    tpu.enqueue_indirect_dma source(%dma_start3A_14 : memref<1048576x64xf32, #tpu.memory_space<hbm>>) target(%dma_start3A_8 : memref<104x64xf32, #tpu.memory_space<vmem>>) offsets(%dma_start3A_11 : memref<104xi32, #tpu.memory_space<vmem>>) semaphore(%arg7 : memref<!tpu.dma_semaphore, #tpu.memory_space<semaphore_mem>>)
    %dma_start3A_15 = arith.constant 0 : i32
    %dma_start3A_16 = arith.constant 0 : i32
    %dma_start3A_17 = arith.constant 0 : i32
    %dma_start3A_18 = arith.constant 104 : i32
    %dma_start3A_19 = arith.constant 0 : i32
    %dma_start3A_20 = tpu.memref_slice %arg6[%dma_start3A_16, %dma_start3A_17, %dma_start3A_18, %dma_start3A_19] : memref<3x2x200x64xf32, #tpu.memory_space<vmem>> -> memref<1x1x96x64xf32, #tpu.memory_space<vmem>>
    %dma_start3A_21 = tpu.memref_squeeze %dma_start3A_20 : memref<1x1x96x64xf32, #tpu.memory_space<vmem>> -> memref<96x64xf32, #tpu.memory_space<vmem>>
    %dma_start3A_22 = arith.constant 104 : i32
    %dma_start3A_23 = tpu.memref_slice %arg5[%dma_start3A_15, %dma_start3A_22] : memref<128x200xi32, #tpu.memory_space<vmem>> -> memref<1x96xi32, #tpu.memory_space<vmem>>
    %dma_start3A_24 = tpu.memref_squeeze %dma_start3A_23 : memref<1x96xi32, #tpu.memory_space<vmem>> -> memref<96xi32, #tpu.memory_space<vmem>>
    %dma_start3A_25 = arith.constant 0 : i32
    %dma_start3A_26 = arith.constant 0 : i32
    %dma_start3A_27 = tpu.memref_slice %arg3[%dma_start3A_25, %dma_start3A_26] : memref<1048576x64xf32, #tpu.memory_space<hbm>> -> memref<1048576x64xf32, #tpu.memory_space<hbm>>
    tpu.enqueue_indirect_dma source(%dma_start3A_27 : memref<1048576x64xf32, #tpu.memory_space<hbm>>) target(%dma_start3A_21 : memref<96x64xf32, #tpu.memory_space<vmem>>) offsets(%dma_start3A_24 : memref<96xi32, #tpu.memory_space<vmem>>) semaphore(%arg7 : memref<!tpu.dma_semaphore, #tpu.memory_space<semaphore_mem>>)
    %dma_start3A_28 = arith.constant 1 : i32
    %dma_start3A_29 = arith.constant 0 : i32
    %dma_start3A_30 = arith.constant 1 : i32
    %dma_start3A_31 = arith.constant 0 : i32
    %dma_start3A_32 = arith.constant 0 : i32
    %dma_start3A_33 = tpu.memref_slice %arg6[%dma_start3A_29, %dma_start3A_30, %dma_start3A_31, %dma_start3A_32] : memref<3x2x200x64xf32, #tpu.memory_space<vmem>> -> memref<1x1x104x64xf32, #tpu.memory_space<vmem>>
    %dma_start3A_34 = tpu.memref_squeeze %dma_start3A_33 : memref<1x1x104x64xf32, #tpu.memory_space<vmem>> -> memref<104x64xf32, #tpu.memory_space<vmem>>
    %dma_start3A_35 = arith.constant 0 : i32
    %dma_start3A_36 = tpu.memref_slice %arg5[%dma_start3A_28, %dma_start3A_35] : memref<128x200xi32, #tpu.memory_space<vmem>> -> memref<1x104xi32, #tpu.memory_space<vmem>>
    %dma_start3A_37 = tpu.memref_squeeze %dma_start3A_36 : memref<1x104xi32, #tpu.memory_space<vmem>> -> memref<104xi32, #tpu.memory_space<vmem>>
    %dma_start3A_38 = arith.constant 0 : i32
    %dma_start3A_39 = arith.constant 0 : i32
    %dma_start3A_40 = tpu.memref_slice %arg3[%dma_start3A_38, %dma_start3A_39] : memref<1048576x64xf32, #tpu.memory_space<hbm>> -> memref<1048576x64xf32, #tpu.memory_space<hbm>>
    tpu.enqueue_indirect_dma source(%dma_start3A_40 : memref<1048576x64xf32, #tpu.memory_space<hbm>>) target(%dma_start3A_34 : memref<104x64xf32, #tpu.memory_space<vmem>>) offsets(%dma_start3A_37 : memref<104xi32, #tpu.memory_space<vmem>>) semaphore(%arg7 : memref<!tpu.dma_semaphore, #tpu.memory_space<semaphore_mem>>)
    %dma_start3A_41 = arith.constant 1 : i32
    %dma_start3A_42 = arith.constant 0 : i32
    %dma_start3A_43 = arith.constant 1 : i32
    %dma_start3A_44 = arith.constant 104 : i32
    %dma_start3A_45 = arith.constant 0 : i32
    %dma_start3A_46 = tpu.memref_slice %arg6[%dma_start3A_42, %dma_start3A_43, %dma_start3A_44, %dma_start3A_45] : memref<3x2x200x64xf32, #tpu.memory_space<vmem>> -> memref<1x1x96x64xf32, #tpu.memory_space<vmem>>
    %dma_start3A_47 = tpu.memref_squeeze %dma_start3A_46 : memref<1x1x96x64xf32, #tpu.memory_space<vmem>> -> memref<96x64xf32, #tpu.memory_space<vmem>>
    %dma_start3A_48 = arith.constant 104 : i32
    %dma_start3A_49 = tpu.memref_slice %arg5[%dma_start3A_41, %dma_start3A_48] : memref<128x200xi32, #tpu.memory_space<vmem>> -> memref<1x96xi32, #tpu.memory_space<vmem>>
    %dma_start3A_50 = tpu.memref_squeeze %dma_start3A_49 : memref<1x96xi32, #tpu.memory_space<vmem>> -> memref<96xi32, #tpu.memory_space<vmem>>
    %dma_start3A_51 = arith.constant 0 : i32
    %dma_start3A_52 = arith.constant 0 : i32
    %dma_start3A_53 = tpu.memref_slice %arg3[%dma_start3A_51, %dma_start3A_52] : memref<1048576x64xf32, #tpu.memory_space<hbm>> -> memref<1048576x64xf32, #tpu.memory_space<hbm>>
    tpu.enqueue_indirect_dma source(%dma_start3A_53 : memref<1048576x64xf32, #tpu.memory_space<hbm>>) target(%dma_start3A_47 : memref<96x64xf32, #tpu.memory_space<vmem>>) offsets(%dma_start3A_50 : memref<96xi32, #tpu.memory_space<vmem>>) semaphore(%arg7 : memref<!tpu.dma_semaphore, #tpu.memory_space<semaphore_mem>>)
    %dma_start3A_54 = arith.constant 2 : i32
    %dma_start3A_55 = arith.constant 1 : i32
    %dma_start3A_56 = arith.constant 0 : i32
    %dma_start3A_57 = arith.constant 0 : i32
    %dma_start3A_58 = arith.constant 0 : i32
    %dma_start3A_59 = tpu.memref_slice %arg6[%dma_start3A_55, %dma_start3A_56, %dma_start3A_57, %dma_start3A_58] : memref<3x2x200x64xf32, #tpu.memory_space<vmem>> -> memref<1x1x104x64xf32, #tpu.memory_space<vmem>>
    %dma_start3A_60 = tpu.memref_squeeze %dma_start3A_59 : memref<1x1x104x64xf32, #tpu.memory_space<vmem>> -> memref<104x64xf32, #tpu.memory_space<vmem>>
    %dma_start3A_61 = arith.constant 0 : i32
    %dma_start3A_62 = tpu.memref_slice %arg5[%dma_start3A_54, %dma_start3A_61] : memref<128x200xi32, #tpu.memory_space<vmem>> -> memref<1x104xi32, #tpu.memory_space<vmem>>
    %dma_start3A_63 = tpu.memref_squeeze %dma_start3A_62 : memref<1x104xi32, #tpu.memory_space<vmem>> -> memref<104xi32, #tpu.memory_space<vmem>>
    %dma_start3A_64 = arith.constant 0 : i32
    %dma_start3A_65 = arith.constant 0 : i32
    %dma_start3A_66 = tpu.memref_slice %arg3[%dma_start3A_64, %dma_start3A_65] : memref<1048576x64xf32, #tpu.memory_space<hbm>> -> memref<1048576x64xf32, #tpu.memory_space<hbm>>
    tpu.enqueue_indirect_dma source(%dma_start3A_66 : memref<1048576x64xf32, #tpu.memory_space<hbm>>) target(%dma_start3A_60 : memref<104x64xf32, #tpu.memory_space<vmem>>) offsets(%dma_start3A_63 : memref<104xi32, #tpu.memory_space<vmem>>) semaphore(%arg8 : memref<!tpu.dma_semaphore, #tpu.memory_space<semaphore_mem>>)
    %dma_start3A_67 = arith.constant 2 : i32
    %dma_start3A_68 = arith.constant 1 : i32
    %dma_start3A_69 = arith.constant 0 : i32
    %dma_start3A_70 = arith.constant 104 : i32
    %dma_start3A_71 = arith.constant 0 : i32
    %dma_start3A_72 = tpu.memref_slice %arg6[%dma_start3A_68, %dma_start3A_69, %dma_start3A_70, %dma_start3A_71] : memref<3x2x200x64xf32, #tpu.memory_space<vmem>> -> memref<1x1x96x64xf32, #tpu.memory_space<vmem>>
    %dma_start3A_73 = tpu.memref_squeeze %dma_start3A_72 : memref<1x1x96x64xf32, #tpu.memory_space<vmem>> -> memref<96x64xf32, #tpu.memory_space<vmem>>
    %dma_start3A_74 = arith.constant 104 : i32
    %dma_start3A_75 = tpu.memref_slice %arg5[%dma_start3A_67, %dma_start3A_74] : memref<128x200xi32, #tpu.memory_space<vmem>> -> memref<1x96xi32, #tpu.memory_space<vmem>>
    %dma_start3A_76 = tpu.memref_squeeze %dma_start3A_75 : memref<1x96xi32, #tpu.memory_space<vmem>> -> memref<96xi32, #tpu.memory_space<vmem>>
    %dma_start3A_77 = arith.constant 0 : i32
    %dma_start3A_78 = arith.constant 0 : i32
    %dma_start3A_79 = tpu.memref_slice %arg3[%dma_start3A_77, %dma_start3A_78] : memref<1048576x64xf32, #tpu.memory_space<hbm>> -> memref<1048576x64xf32, #tpu.memory_space<hbm>>
    tpu.enqueue_indirect_dma source(%dma_start3A_79 : memref<1048576x64xf32, #tpu.memory_space<hbm>>) target(%dma_start3A_73 : memref<96x64xf32, #tpu.memory_space<vmem>>) offsets(%dma_start3A_76 : memref<96xi32, #tpu.memory_space<vmem>>) semaphore(%arg8 : memref<!tpu.dma_semaphore, #tpu.memory_space<semaphore_mem>>)
    %dma_start3A_80 = arith.constant 3 : i32
    %dma_start3A_81 = arith.constant 1 : i32
    %dma_start3A_82 = arith.constant 1 : i32
    %dma_start3A_83 = arith.constant 0 : i32
    %dma_start3A_84 = arith.constant 0 : i32
    %dma_start3A_85 = tpu.memref_slice %arg6[%dma_start3A_81, %dma_start3A_82, %dma_start3A_83, %dma_start3A_84] : memref<3x2x200x64xf32, #tpu.memory_space<vmem>> -> memref<1x1x104x64xf32, #tpu.memory_space<vmem>>
    %dma_start3A_86 = tpu.memref_squeeze %dma_start3A_85 : memref<1x1x104x64xf32, #tpu.memory_space<vmem>> -> memref<104x64xf32, #tpu.memory_space<vmem>>
    %dma_start3A_87 = arith.constant 0 : i32
    %dma_start3A_88 = tpu.memref_slice %arg5[%dma_start3A_80, %dma_start3A_87] : memref<128x200xi32, #tpu.memory_space<vmem>> -> memref<1x104xi32, #tpu.memory_space<vmem>>
    %dma_start3A_89 = tpu.memref_squeeze %dma_start3A_88 : memref<1x104xi32, #tpu.memory_space<vmem>> -> memref<104xi32, #tpu.memory_space<vmem>>
    %dma_start3A_90 = arith.constant 0 : i32
    %dma_start3A_91 = arith.constant 0 : i32
    %dma_start3A_92 = tpu.memref_slice %arg3[%dma_start3A_90, %dma_start3A_91] : memref<1048576x64xf32, #tpu.memory_space<hbm>> -> memref<1048576x64xf32, #tpu.memory_space<hbm>>
    tpu.enqueue_indirect_dma source(%dma_start3A_92 : memref<1048576x64xf32, #tpu.memory_space<hbm>>) target(%dma_start3A_86 : memref<104x64xf32, #tpu.memory_space<vmem>>) offsets(%dma_start3A_89 : memref<104xi32, #tpu.memory_space<vmem>>) semaphore(%arg8 : memref<!tpu.dma_semaphore, #tpu.memory_space<semaphore_mem>>)
    %dma_start3A_93 = arith.constant 3 : i32
    %dma_start3A_94 = arith.constant 1 : i32
    %dma_start3A_95 = arith.constant 1 : i32
    %dma_start3A_96 = arith.constant 104 : i32
    %dma_start3A_97 = arith.constant 0 : i32
    %dma_start3A_98 = tpu.memref_slice %arg6[%dma_start3A_94, %dma_start3A_95, %dma_start3A_96, %dma_start3A_97] : memref<3x2x200x64xf32, #tpu.memory_space<vmem>> -> memref<1x1x96x64xf32, #tpu.memory_space<vmem>>
    %dma_start3A_99 = tpu.memref_squeeze %dma_start3A_98 : memref<1x1x96x64xf32, #tpu.memory_space<vmem>> -> memref<96x64xf32, #tpu.memory_space<vmem>>
    %dma_start3A_100 = arith.constant 104 : i32
    %dma_start3A_101 = tpu.memref_slice %arg5[%dma_start3A_93, %dma_start3A_100] : memref<128x200xi32, #tpu.memory_space<vmem>> -> memref<1x96xi32, #tpu.memory_space<vmem>>
    %dma_start3A_102 = tpu.memref_squeeze %dma_start3A_101 : memref<1x96xi32, #tpu.memory_space<vmem>> -> memref<96xi32, #tpu.memory_space<vmem>>
    %dma_start3A_103 = arith.constant 0 : i32
    %dma_start3A_104 = arith.constant 0 : i32
    %dma_start3A_105 = tpu.memref_slice %arg3[%dma_start3A_103, %dma_start3A_104] : memref<1048576x64xf32, #tpu.memory_space<hbm>> -> memref<1048576x64xf32, #tpu.memory_space<hbm>>
    tpu.enqueue_indirect_dma source(%dma_start3A_105 : memref<1048576x64xf32, #tpu.memory_space<hbm>>) target(%dma_start3A_99 : memref<96x64xf32, #tpu.memory_space<vmem>>) offsets(%dma_start3A_102 : memref<96xi32, #tpu.memory_space<vmem>>) semaphore(%arg8 : memref<!tpu.dma_semaphore, #tpu.memory_space<semaphore_mem>>)
    %dma_start3A_106 = arith.constant 4 : i32
    %dma_start3A_107 = arith.constant 2 : i32
    %dma_start3A_108 = arith.constant 0 : i32
    %dma_start3A_109 = arith.constant 0 : i32
    %dma_start3A_110 = arith.constant 0 : i32
    %dma_start3A_111 = tpu.memref_slice %arg6[%dma_start3A_107, %dma_start3A_108, %dma_start3A_109, %dma_start3A_110] : memref<3x2x200x64xf32, #tpu.memory_space<vmem>> -> memref<1x1x104x64xf32, #tpu.memory_space<vmem>>
    %dma_start3A_112 = tpu.memref_squeeze %dma_start3A_111 : memref<1x1x104x64xf32, #tpu.memory_space<vmem>> -> memref<104x64xf32, #tpu.memory_space<vmem>>
    %dma_start3A_113 = arith.constant 0 : i32
    %dma_start3A_114 = tpu.memref_slice %arg5[%dma_start3A_106, %dma_start3A_113] : memref<128x200xi32, #tpu.memory_space<vmem>> -> memref<1x104xi32, #tpu.memory_space<vmem>>
    %dma_start3A_115 = tpu.memref_squeeze %dma_start3A_114 : memref<1x104xi32, #tpu.memory_space<vmem>> -> memref<104xi32, #tpu.memory_space<vmem>>
    %dma_start3A_116 = arith.constant 0 : i32
    %dma_start3A_117 = arith.constant 0 : i32
    %dma_start3A_118 = tpu.memref_slice %arg3[%dma_start3A_116, %dma_start3A_117] : memref<1048576x64xf32, #tpu.memory_space<hbm>> -> memref<1048576x64xf32, #tpu.memory_space<hbm>>
    tpu.enqueue_indirect_dma source(%dma_start3A_118 : memref<1048576x64xf32, #tpu.memory_space<hbm>>) target(%dma_start3A_112 : memref<104x64xf32, #tpu.memory_space<vmem>>) offsets(%dma_start3A_115 : memref<104xi32, #tpu.memory_space<vmem>>) semaphore(%arg9 : memref<!tpu.dma_semaphore, #tpu.memory_space<semaphore_mem>>)
    %dma_start3A_119 = arith.constant 4 : i32
    %dma_start3A_120 = arith.constant 2 : i32
    %dma_start3A_121 = arith.constant 0 : i32
    %dma_start3A_122 = arith.constant 104 : i32
    %dma_start3A_123 = arith.constant 0 : i32
    %dma_start3A_124 = tpu.memref_slice %arg6[%dma_start3A_120, %dma_start3A_121, %dma_start3A_122, %dma_start3A_123] : memref<3x2x200x64xf32, #tpu.memory_space<vmem>> -> memref<1x1x96x64xf32, #tpu.memory_space<vmem>>
    %dma_start3A_125 = tpu.memref_squeeze %dma_start3A_124 : memref<1x1x96x64xf32, #tpu.memory_space<vmem>> -> memref<96x64xf32, #tpu.memory_space<vmem>>
    %dma_start3A_126 = arith.constant 104 : i32
    %dma_start3A_127 = tpu.memref_slice %arg5[%dma_start3A_119, %dma_start3A_126] : memref<128x200xi32, #tpu.memory_space<vmem>> -> memref<1x96xi32, #tpu.memory_space<vmem>>
    %dma_start3A_128 = tpu.memref_squeeze %dma_start3A_127 : memref<1x96xi32, #tpu.memory_space<vmem>> -> memref<96xi32, #tpu.memory_space<vmem>>
    %dma_start3A_129 = arith.constant 0 : i32
    %dma_start3A_130 = arith.constant 0 : i32
    %dma_start3A_131 = tpu.memref_slice %arg3[%dma_start3A_129, %dma_start3A_130] : memref<1048576x64xf32, #tpu.memory_space<hbm>> -> memref<1048576x64xf32, #tpu.memory_space<hbm>>
    tpu.enqueue_indirect_dma source(%dma_start3A_131 : memref<1048576x64xf32, #tpu.memory_space<hbm>>) target(%dma_start3A_125 : memref<96x64xf32, #tpu.memory_space<vmem>>) offsets(%dma_start3A_128 : memref<96xi32, #tpu.memory_space<vmem>>) semaphore(%arg9 : memref<!tpu.dma_semaphore, #tpu.memory_space<semaphore_mem>>)
    %dma_start3A_132 = arith.constant 5 : i32
    %dma_start3A_133 = arith.constant 2 : i32
    %dma_start3A_134 = arith.constant 1 : i32
    %dma_start3A_135 = arith.constant 0 : i32
    %dma_start3A_136 = arith.constant 0 : i32
    %dma_start3A_137 = tpu.memref_slice %arg6[%dma_start3A_133, %dma_start3A_134, %dma_start3A_135, %dma_start3A_136] : memref<3x2x200x64xf32, #tpu.memory_space<vmem>> -> memref<1x1x104x64xf32, #tpu.memory_space<vmem>>
    %dma_start3A_138 = tpu.memref_squeeze %dma_start3A_137 : memref<1x1x104x64xf32, #tpu.memory_space<vmem>> -> memref<104x64xf32, #tpu.memory_space<vmem>>
    %dma_start3A_139 = arith.constant 0 : i32
    %dma_start3A_140 = tpu.memref_slice %arg5[%dma_start3A_132, %dma_start3A_139] : memref<128x200xi32, #tpu.memory_space<vmem>> -> memref<1x104xi32, #tpu.memory_space<vmem>>
    %dma_start3A_141 = tpu.memref_squeeze %dma_start3A_140 : memref<1x104xi32, #tpu.memory_space<vmem>> -> memref<104xi32, #tpu.memory_space<vmem>>
    %dma_start3A_142 = arith.constant 0 : i32
    %dma_start3A_143 = arith.constant 0 : i32
    %dma_start3A_144 = tpu.memref_slice %arg3[%dma_start3A_142, %dma_start3A_143] : memref<1048576x64xf32, #tpu.memory_space<hbm>> -> memref<1048576x64xf32, #tpu.memory_space<hbm>>
    tpu.enqueue_indirect_dma source(%dma_start3A_144 : memref<1048576x64xf32, #tpu.memory_space<hbm>>) target(%dma_start3A_138 : memref<104x64xf32, #tpu.memory_space<vmem>>) offsets(%dma_start3A_141 : memref<104xi32, #tpu.memory_space<vmem>>) semaphore(%arg9 : memref<!tpu.dma_semaphore, #tpu.memory_space<semaphore_mem>>)
    %dma_start3A_145 = arith.constant 5 : i32
    %dma_start3A_146 = arith.constant 2 : i32
    %dma_start3A_147 = arith.constant 1 : i32
    %dma_start3A_148 = arith.constant 104 : i32
    %dma_start3A_149 = arith.constant 0 : i32
    %dma_start3A_150 = tpu.memref_slice %arg6[%dma_start3A_146, %dma_start3A_147, %dma_start3A_148, %dma_start3A_149] : memref<3x2x200x64xf32, #tpu.memory_space<vmem>> -> memref<1x1x96x64xf32, #tpu.memory_space<vmem>>
    %dma_start3A_151 = tpu.memref_squeeze %dma_start3A_150 : memref<1x1x96x64xf32, #tpu.memory_space<vmem>> -> memref<96x64xf32, #tpu.memory_space<vmem>>
    %dma_start3A_152 = arith.constant 104 : i32
    %dma_start3A_153 = tpu.memref_slice %arg5[%dma_start3A_145, %dma_start3A_152] : memref<128x200xi32, #tpu.memory_space<vmem>> -> memref<1x96xi32, #tpu.memory_space<vmem>>
    %dma_start3A_154 = tpu.memref_squeeze %dma_start3A_153 : memref<1x96xi32, #tpu.memory_space<vmem>> -> memref<96xi32, #tpu.memory_space<vmem>>
    %dma_start3A_155 = arith.constant 0 : i32
    %dma_start3A_156 = arith.constant 0 : i32
    %dma_start3A_157 = tpu.memref_slice %arg3[%dma_start3A_155, %dma_start3A_156] : memref<1048576x64xf32, #tpu.memory_space<hbm>> -> memref<1048576x64xf32, #tpu.memory_space<hbm>>
    tpu.enqueue_indirect_dma source(%dma_start3A_157 : memref<1048576x64xf32, #tpu.memory_space<hbm>>) target(%dma_start3A_151 : memref<96x64xf32, #tpu.memory_space<vmem>>) offsets(%dma_start3A_154 : memref<96xi32, #tpu.memory_space<vmem>>) semaphore(%arg9 : memref<!tpu.dma_semaphore, #tpu.memory_space<semaphore_mem>>)
    %dma_wait3A = arith.constant 0 : i32
    %dma_wait3A_158 = arith.constant 0 : i32
    %dma_wait3A_159 = arith.constant 0 : i32
    %dma_wait3A_160 = arith.constant 0 : i32
    %dma_wait3A_161 = arith.constant 0 : i32
    %dma_wait3A_162 = tpu.memref_slice %arg6[%dma_wait3A_158, %dma_wait3A_159, %dma_wait3A_160, %dma_wait3A_161] : memref<3x2x200x64xf32, #tpu.memory_space<vmem>> -> memref<1x1x104x64xf32, #tpu.memory_space<vmem>>
    %dma_wait3A_163 = tpu.memref_squeeze %dma_wait3A_162 : memref<1x1x104x64xf32, #tpu.memory_space<vmem>> -> memref<104x64xf32, #tpu.memory_space<vmem>>
    %dma_wait3A_164 = arith.constant 0 : i32
    %dma_wait3A_165 = tpu.memref_slice %arg5[%dma_wait3A, %dma_wait3A_164] : memref<128x200xi32, #tpu.memory_space<vmem>> -> memref<1x104xi32, #tpu.memory_space<vmem>>
    %dma_wait3A_166 = tpu.memref_squeeze %dma_wait3A_165 : memref<1x104xi32, #tpu.memory_space<vmem>> -> memref<104xi32, #tpu.memory_space<vmem>>
    %dma_wait3A_167 = arith.constant 0 : i32
    %dma_wait3A_168 = arith.constant 0 : i32
    %dma_wait3A_169 = tpu.memref_slice %arg3[%dma_wait3A_167, %dma_wait3A_168] : memref<1048576x64xf32, #tpu.memory_space<hbm>> -> memref<1048576x64xf32, #tpu.memory_space<hbm>>
    tpu.wait_indirect_dma semaphore(%arg7 : memref<!tpu.dma_semaphore, #tpu.memory_space<semaphore_mem>>) src(%dma_wait3A_169 : memref<1048576x64xf32, #tpu.memory_space<hbm>>) dst(%dma_wait3A_163 : memref<104x64xf32, #tpu.memory_space<vmem>>)
    %dma_wait3A_170 = arith.constant 0 : i32
    %dma_wait3A_171 = arith.constant 0 : i32
    %dma_wait3A_172 = arith.constant 0 : i32
    %dma_wait3A_173 = arith.constant 104 : i32
    %dma_wait3A_174 = arith.constant 0 : i32
    %dma_wait3A_175 = tpu.memref_slice %arg6[%dma_wait3A_171, %dma_wait3A_172, %dma_wait3A_173, %dma_wait3A_174] : memref<3x2x200x64xf32, #tpu.memory_space<vmem>> -> memref<1x1x96x64xf32, #tpu.memory_space<vmem>>
    %dma_wait3A_176 = tpu.memref_squeeze %dma_wait3A_175 : memref<1x1x96x64xf32, #tpu.memory_space<vmem>> -> memref<96x64xf32, #tpu.memory_space<vmem>>
    %dma_wait3A_177 = arith.constant 104 : i32
    %dma_wait3A_178 = tpu.memref_slice %arg5[%dma_wait3A_170, %dma_wait3A_177] : memref<128x200xi32, #tpu.memory_space<vmem>> -> memref<1x96xi32, #tpu.memory_space<vmem>>
    %dma_wait3A_179 = tpu.memref_squeeze %dma_wait3A_178 : memref<1x96xi32, #tpu.memory_space<vmem>> -> memref<96xi32, #tpu.memory_space<vmem>>
    %dma_wait3A_180 = arith.constant 0 : i32
    %dma_wait3A_181 = arith.constant 0 : i32
    %dma_wait3A_182 = tpu.memref_slice %arg3[%dma_wait3A_180, %dma_wait3A_181] : memref<1048576x64xf32, #tpu.memory_space<hbm>> -> memref<1048576x64xf32, #tpu.memory_space<hbm>>
    tpu.wait_indirect_dma semaphore(%arg7 : memref<!tpu.dma_semaphore, #tpu.memory_space<semaphore_mem>>) src(%dma_wait3A_182 : memref<1048576x64xf32, #tpu.memory_space<hbm>>) dst(%dma_wait3A_176 : memref<96x64xf32, #tpu.memory_space<vmem>>)
    %dma_wait3A_183 = arith.constant 1 : i32
    %dma_wait3A_184 = arith.constant 0 : i32
    %dma_wait3A_185 = arith.constant 1 : i32
    %dma_wait3A_186 = arith.constant 0 : i32
    %dma_wait3A_187 = arith.constant 0 : i32
    %dma_wait3A_188 = tpu.memref_slice %arg6[%dma_wait3A_184, %dma_wait3A_185, %dma_wait3A_186, %dma_wait3A_187] : memref<3x2x200x64xf32, #tpu.memory_space<vmem>> -> memref<1x1x104x64xf32, #tpu.memory_space<vmem>>
    %dma_wait3A_189 = tpu.memref_squeeze %dma_wait3A_188 : memref<1x1x104x64xf32, #tpu.memory_space<vmem>> -> memref<104x64xf32, #tpu.memory_space<vmem>>
    %dma_wait3A_190 = arith.constant 0 : i32
    %dma_wait3A_191 = tpu.memref_slice %arg5[%dma_wait3A_183, %dma_wait3A_190] : memref<128x200xi32, #tpu.memory_space<vmem>> -> memref<1x104xi32, #tpu.memory_space<vmem>>
    %dma_wait3A_192 = tpu.memref_squeeze %dma_wait3A_191 : memref<1x104xi32, #tpu.memory_space<vmem>> -> memref<104xi32, #tpu.memory_space<vmem>>
    %dma_wait3A_193 = arith.constant 0 : i32
    %dma_wait3A_194 = arith.constant 0 : i32
    %dma_wait3A_195 = tpu.memref_slice %arg3[%dma_wait3A_193, %dma_wait3A_194] : memref<1048576x64xf32, #tpu.memory_space<hbm>> -> memref<1048576x64xf32, #tpu.memory_space<hbm>>
    tpu.wait_indirect_dma semaphore(%arg7 : memref<!tpu.dma_semaphore, #tpu.memory_space<semaphore_mem>>) src(%dma_wait3A_195 : memref<1048576x64xf32, #tpu.memory_space<hbm>>) dst(%dma_wait3A_189 : memref<104x64xf32, #tpu.memory_space<vmem>>)
    %dma_wait3A_196 = arith.constant 1 : i32
    %dma_wait3A_197 = arith.constant 0 : i32
    %dma_wait3A_198 = arith.constant 1 : i32
    %dma_wait3A_199 = arith.constant 104 : i32
    %dma_wait3A_200 = arith.constant 0 : i32
    %dma_wait3A_201 = tpu.memref_slice %arg6[%dma_wait3A_197, %dma_wait3A_198, %dma_wait3A_199, %dma_wait3A_200] : memref<3x2x200x64xf32, #tpu.memory_space<vmem>> -> memref<1x1x96x64xf32, #tpu.memory_space<vmem>>
    %dma_wait3A_202 = tpu.memref_squeeze %dma_wait3A_201 : memref<1x1x96x64xf32, #tpu.memory_space<vmem>> -> memref<96x64xf32, #tpu.memory_space<vmem>>
    %dma_wait3A_203 = arith.constant 104 : i32
    %dma_wait3A_204 = tpu.memref_slice %arg5[%dma_wait3A_196, %dma_wait3A_203] : memref<128x200xi32, #tpu.memory_space<vmem>> -> memref<1x96xi32, #tpu.memory_space<vmem>>
    %dma_wait3A_205 = tpu.memref_squeeze %dma_wait3A_204 : memref<1x96xi32, #tpu.memory_space<vmem>> -> memref<96xi32, #tpu.memory_space<vmem>>
    %dma_wait3A_206 = arith.constant 0 : i32
    %dma_wait3A_207 = arith.constant 0 : i32
    %dma_wait3A_208 = tpu.memref_slice %arg3[%dma_wait3A_206, %dma_wait3A_207] : memref<1048576x64xf32, #tpu.memory_space<hbm>> -> memref<1048576x64xf32, #tpu.memory_space<hbm>>
    tpu.wait_indirect_dma semaphore(%arg7 : memref<!tpu.dma_semaphore, #tpu.memory_space<semaphore_mem>>) src(%dma_wait3A_208 : memref<1048576x64xf32, #tpu.memory_space<hbm>>) dst(%dma_wait3A_202 : memref<96x64xf32, #tpu.memory_space<vmem>>)
    %add3A_209 = arith.constant 0 : i32
    %add3A_210 = arith.addi %mul3A_2, %add3A_209 : i32
    %dma_start3A_211 = arith.constant 0 : i32
    %dma_start3A_212 = arith.constant 0 : i32
    %dma_start3A_213 = arith.constant 0 : i32
    %dma_start3A_214 = arith.constant 0 : i32
    %dma_start3A_215 = tpu.memref_slice %arg6[%dma_start3A_211, %dma_start3A_212, %dma_start3A_213, %dma_start3A_214] : memref<3x2x200x64xf32, #tpu.memory_space<vmem>> -> memref<1x2x200x64xf32, #tpu.memory_space<vmem>>
    %dma_start3A_216 = tpu.memref_squeeze %dma_start3A_215 : memref<1x2x200x64xf32, #tpu.memory_space<vmem>> -> memref<2x200x64xf32, #tpu.memory_space<vmem>>
    %dma_start3A_217 = arith.constant 0 : i32
    %dma_start3A_218 = arith.constant 0 : i32
    %dma_start3A_219 = tpu.memref_slice %arg4[%add3A_210, %dma_start3A_217, %dma_start3A_218] : memref<4096x200x128xf32, #tpu.memory_space<hbm>> -> memref<2x200x64xf32, #tpu.memory_space<hbm>>
    %dma_start3A_220 = arith.constant 0 : i32
    %dma_start3A_221 = arith.constant 0 : i32
    %dma_start3A_222 = tpu.memref_slice %arg4[%add3A_210, %dma_start3A_220, %dma_start3A_221] : memref<4096x200x128xf32, #tpu.memory_space<hbm>> -> memref<2x200x64xf32, #tpu.memory_space<hbm>>
    %dma_start3A_223 = arith.constant 0 : i32
    %dma_start3A_224 = arith.constant 0 : i32
    %dma_start3A_225 = arith.constant 0 : i32
    %dma_start3A_226 = tpu.memref_slice %arg6[%dma_start3A_211, %dma_start3A_223, %dma_start3A_224, %dma_start3A_225] : memref<3x2x200x64xf32, #tpu.memory_space<vmem>> -> memref<1x2x200x64xf32, #tpu.memory_space<vmem>>
    %dma_start3A_227 = tpu.memref_squeeze %dma_start3A_226 : memref<1x2x200x64xf32, #tpu.memory_space<vmem>> -> memref<2x200x64xf32, #tpu.memory_space<vmem>>
    tpu.enqueue_dma source(%dma_start3A_227 : memref<2x200x64xf32, #tpu.memory_space<vmem>>) target(%dma_start3A_222 : memref<2x200x64xf32, #tpu.memory_space<hbm>>) target_semaphore(%arg10 : memref<!tpu.dma_semaphore, #tpu.memory_space<semaphore_mem>>)
    %dma_wait3A_228 = arith.constant 0 : i32
    %dma_wait3A_229 = arith.constant 0 : i32
    %dma_wait3A_230 = arith.constant 0 : i32
    %dma_wait3A_231 = arith.constant 0 : i32
    %dma_wait3A_232 = tpu.memref_slice %arg6[%dma_wait3A_228, %dma_wait3A_229, %dma_wait3A_230, %dma_wait3A_231] : memref<3x2x200x64xf32, #tpu.memory_space<vmem>> -> memref<1x2x200x64xf32, #tpu.memory_space<vmem>>
    %dma_wait3A_233 = tpu.memref_squeeze %dma_wait3A_232 : memref<1x2x200x64xf32, #tpu.memory_space<vmem>> -> memref<2x200x64xf32, #tpu.memory_space<vmem>>
    %dma_wait3A_234 = arith.constant 0 : i32
    %dma_wait3A_235 = arith.constant 0 : i32
    %dma_wait3A_236 = tpu.memref_slice %arg4[%mul3A_2, %dma_wait3A_234, %dma_wait3A_235] : memref<4096x200x128xf32, #tpu.memory_space<hbm>> -> memref<2x200x64xf32, #tpu.memory_space<hbm>>
    %dma_wait3A_237 = arith.constant 0 : i32
    %dma_wait3A_238 = arith.constant 0 : i32
    %dma_wait3A_239 = tpu.memref_slice %arg4[%mul3A_2, %dma_wait3A_237, %dma_wait3A_238] : memref<4096x200x128xf32, #tpu.memory_space<hbm>> -> memref<2x200x64xf32, #tpu.memory_space<hbm>>
    %dma_wait3A_240 = arith.constant 0 : i32
    %dma_wait3A_241 = arith.constant 0 : i32
    %dma_wait3A_242 = arith.constant 0 : i32
    %dma_wait3A_243 = tpu.memref_slice %arg6[%dma_wait3A_228, %dma_wait3A_240, %dma_wait3A_241, %dma_wait3A_242] : memref<3x2x200x64xf32, #tpu.memory_space<vmem>> -> memref<1x2x200x64xf32, #tpu.memory_space<vmem>>
    %dma_wait3A_244 = tpu.memref_squeeze %dma_wait3A_243 : memref<1x2x200x64xf32, #tpu.memory_space<vmem>> -> memref<2x200x64xf32, #tpu.memory_space<vmem>>
    tpu.wait_dma2 semaphore(%arg10 : memref<!tpu.dma_semaphore, #tpu.memory_space<semaphore_mem>>) src(%dma_wait3A_244 : memref<2x200x64xf32, #tpu.memory_space<vmem>>) dst(%dma_wait3A_239 : memref<2x200x64xf32, #tpu.memory_space<hbm>>)
    %dma_start3A_245 = arith.constant 6 : i32
    %dma_start3A_246 = arith.constant 0 : i32
    %dma_start3A_247 = arith.constant 0 : i32
    %dma_start3A_248 = arith.constant 0 : i32
    %dma_start3A_249 = arith.constant 0 : i32
    %dma_start3A_250 = tpu.memref_slice %arg6[%dma_start3A_246, %dma_start3A_247, %dma_start3A_248, %dma_start3A_249] : memref<3x2x200x64xf32, #tpu.memory_space<vmem>> -> memref<1x1x104x64xf32, #tpu.memory_space<vmem>>
    %dma_start3A_251 = tpu.memref_squeeze %dma_start3A_250 : memref<1x1x104x64xf32, #tpu.memory_space<vmem>> -> memref<104x64xf32, #tpu.memory_space<vmem>>
    %dma_start3A_252 = arith.constant 0 : i32
    %dma_start3A_253 = tpu.memref_slice %arg5[%dma_start3A_245, %dma_start3A_252] : memref<128x200xi32, #tpu.memory_space<vmem>> -> memref<1x104xi32, #tpu.memory_space<vmem>>
    %dma_start3A_254 = tpu.memref_squeeze %dma_start3A_253 : memref<1x104xi32, #tpu.memory_space<vmem>> -> memref<104xi32, #tpu.memory_space<vmem>>
    %dma_start3A_255 = arith.constant 0 : i32
    %dma_start3A_256 = arith.constant 0 : i32
    %dma_start3A_257 = tpu.memref_slice %arg3[%dma_start3A_255, %dma_start3A_256] : memref<1048576x64xf32, #tpu.memory_space<hbm>> -> memref<1048576x64xf32, #tpu.memory_space<hbm>>
    tpu.enqueue_indirect_dma source(%dma_start3A_257 : memref<1048576x64xf32, #tpu.memory_space<hbm>>) target(%dma_start3A_251 : memref<104x64xf32, #tpu.memory_space<vmem>>) offsets(%dma_start3A_254 : memref<104xi32, #tpu.memory_space<vmem>>) semaphore(%arg7 : memref<!tpu.dma_semaphore, #tpu.memory_space<semaphore_mem>>)
    %dma_start3A_258 = arith.constant 6 : i32
    %dma_start3A_259 = arith.constant 0 : i32
    %dma_start3A_260 = arith.constant 0 : i32
    %dma_start3A_261 = arith.constant 104 : i32
    %dma_start3A_262 = arith.constant 0 : i32
    %dma_start3A_263 = tpu.memref_slice %arg6[%dma_start3A_259, %dma_start3A_260, %dma_start3A_261, %dma_start3A_262] : memref<3x2x200x64xf32, #tpu.memory_space<vmem>> -> memref<1x1x96x64xf32, #tpu.memory_space<vmem>>
    %dma_start3A_264 = tpu.memref_squeeze %dma_start3A_263 : memref<1x1x96x64xf32, #tpu.memory_space<vmem>> -> memref<96x64xf32, #tpu.memory_space<vmem>>
    %dma_start3A_265 = arith.constant 104 : i32
    %dma_start3A_266 = tpu.memref_slice %arg5[%dma_start3A_258, %dma_start3A_265] : memref<128x200xi32, #tpu.memory_space<vmem>> -> memref<1x96xi32, #tpu.memory_space<vmem>>
    %dma_start3A_267 = tpu.memref_squeeze %dma_start3A_266 : memref<1x96xi32, #tpu.memory_space<vmem>> -> memref<96xi32, #tpu.memory_space<vmem>>
    %dma_start3A_268 = arith.constant 0 : i32
    %dma_start3A_269 = arith.constant 0 : i32
    %dma_start3A_270 = tpu.memref_slice %arg3[%dma_start3A_268, %dma_start3A_269] : memref<1048576x64xf32, #tpu.memory_space<hbm>> -> memref<1048576x64xf32, #tpu.memory_space<hbm>>
    tpu.enqueue_indirect_dma source(%dma_start3A_270 : memref<1048576x64xf32, #tpu.memory_space<hbm>>) target(%dma_start3A_264 : memref<96x64xf32, #tpu.memory_space<vmem>>) offsets(%dma_start3A_267 : memref<96xi32, #tpu.memory_space<vmem>>) semaphore(%arg7 : memref<!tpu.dma_semaphore, #tpu.memory_space<semaphore_mem>>)
    %dma_start3A_271 = arith.constant 7 : i32
    %dma_start3A_272 = arith.constant 0 : i32
    %dma_start3A_273 = arith.constant 1 : i32
    %dma_start3A_274 = arith.constant 0 : i32
    %dma_start3A_275 = arith.constant 0 : i32
    %dma_start3A_276 = tpu.memref_slice %arg6[%dma_start3A_272, %dma_start3A_273, %dma_start3A_274, %dma_start3A_275] : memref<3x2x200x64xf32, #tpu.memory_space<vmem>> -> memref<1x1x104x64xf32, #tpu.memory_space<vmem>>
    %dma_start3A_277 = tpu.memref_squeeze %dma_start3A_276 : memref<1x1x104x64xf32, #tpu.memory_space<vmem>> -> memref<104x64xf32, #tpu.memory_space<vmem>>
    %dma_start3A_278 = arith.constant 0 : i32
    %dma_start3A_279 = tpu.memref_slice %arg5[%dma_start3A_271, %dma_start3A_278] : memref<128x200xi32, #tpu.memory_space<vmem>> -> memref<1x104xi32, #tpu.memory_space<vmem>>
    %dma_start3A_280 = tpu.memref_squeeze %dma_start3A_279 : memref<1x104xi32, #tpu.memory_space<vmem>> -> memref<104xi32, #tpu.memory_space<vmem>>
    %dma_start3A_281 = arith.constant 0 : i32
    %dma_start3A_282 = arith.constant 0 : i32
    %dma_start3A_283 = tpu.memref_slice %arg3[%dma_start3A_281, %dma_start3A_282] : memref<1048576x64xf32, #tpu.memory_space<hbm>> -> memref<1048576x64xf32, #tpu.memory_space<hbm>>
    tpu.enqueue_indirect_dma source(%dma_start3A_283 : memref<1048576x64xf32, #tpu.memory_space<hbm>>) target(%dma_start3A_277 : memref<104x64xf32, #tpu.memory_space<vmem>>) offsets(%dma_start3A_280 : memref<104xi32, #tpu.memory_space<vmem>>) semaphore(%arg7 : memref<!tpu.dma_semaphore, #tpu.memory_space<semaphore_mem>>)
    %dma_start3A_284 = arith.constant 7 : i32
    %dma_start3A_285 = arith.constant 0 : i32
    %dma_start3A_286 = arith.constant 1 : i32
    %dma_start3A_287 = arith.constant 104 : i32
    %dma_start3A_288 = arith.constant 0 : i32
    %dma_start3A_289 = tpu.memref_slice %arg6[%dma_start3A_285, %dma_start3A_286, %dma_start3A_287, %dma_start3A_288] : memref<3x2x200x64xf32, #tpu.memory_space<vmem>> -> memref<1x1x96x64xf32, #tpu.memory_space<vmem>>
    %dma_start3A_290 = tpu.memref_squeeze %dma_start3A_289 : memref<1x1x96x64xf32, #tpu.memory_space<vmem>> -> memref<96x64xf32, #tpu.memory_space<vmem>>
    %dma_start3A_291 = arith.constant 104 : i32
    %dma_start3A_292 = tpu.memref_slice %arg5[%dma_start3A_284, %dma_start3A_291] : memref<128x200xi32, #tpu.memory_space<vmem>> -> memref<1x96xi32, #tpu.memory_space<vmem>>
    %dma_start3A_293 = tpu.memref_squeeze %dma_start3A_292 : memref<1x96xi32, #tpu.memory_space<vmem>> -> memref<96xi32, #tpu.memory_space<vmem>>
    %dma_start3A_294 = arith.constant 0 : i32
    %dma_start3A_295 = arith.constant 0 : i32
    %dma_start3A_296 = tpu.memref_slice %arg3[%dma_start3A_294, %dma_start3A_295] : memref<1048576x64xf32, #tpu.memory_space<hbm>> -> memref<1048576x64xf32, #tpu.memory_space<hbm>>
    tpu.enqueue_indirect_dma source(%dma_start3A_296 : memref<1048576x64xf32, #tpu.memory_space<hbm>>) target(%dma_start3A_290 : memref<96x64xf32, #tpu.memory_space<vmem>>) offsets(%dma_start3A_293 : memref<96xi32, #tpu.memory_space<vmem>>) semaphore(%arg7 : memref<!tpu.dma_semaphore, #tpu.memory_space<semaphore_mem>>)
    %dma_wait3A_297 = arith.constant 0 : i32
    %dma_wait3A_298 = arith.constant 1 : i32
    %dma_wait3A_299 = arith.constant 0 : i32
    %dma_wait3A_300 = arith.constant 0 : i32
    %dma_wait3A_301 = arith.constant 0 : i32
    %dma_wait3A_302 = tpu.memref_slice %arg6[%dma_wait3A_298, %dma_wait3A_299, %dma_wait3A_300, %dma_wait3A_301] : memref<3x2x200x64xf32, #tpu.memory_space<vmem>> -> memref<1x1x104x64xf32, #tpu.memory_space<vmem>>
    %dma_wait3A_303 = tpu.memref_squeeze %dma_wait3A_302 : memref<1x1x104x64xf32, #tpu.memory_space<vmem>> -> memref<104x64xf32, #tpu.memory_space<vmem>>
    %dma_wait3A_304 = arith.constant 0 : i32
    %dma_wait3A_305 = tpu.memref_slice %arg5[%dma_wait3A_297, %dma_wait3A_304] : memref<128x200xi32, #tpu.memory_space<vmem>> -> memref<1x104xi32, #tpu.memory_space<vmem>>
    %dma_wait3A_306 = tpu.memref_squeeze %dma_wait3A_305 : memref<1x104xi32, #tpu.memory_space<vmem>> -> memref<104xi32, #tpu.memory_space<vmem>>
    %dma_wait3A_307 = arith.constant 0 : i32
    %dma_wait3A_308 = arith.constant 0 : i32
    %dma_wait3A_309 = tpu.memref_slice %arg3[%dma_wait3A_307, %dma_wait3A_308] : memref<1048576x64xf32, #tpu.memory_space<hbm>> -> memref<1048576x64xf32, #tpu.memory_space<hbm>>
    tpu.wait_indirect_dma semaphore(%arg8 : memref<!tpu.dma_semaphore, #tpu.memory_space<semaphore_mem>>) src(%dma_wait3A_309 : memref<1048576x64xf32, #tpu.memory_space<hbm>>) dst(%dma_wait3A_303 : memref<104x64xf32, #tpu.memory_space<vmem>>)
    %dma_wait3A_310 = arith.constant 0 : i32
    %dma_wait3A_311 = arith.constant 1 : i32
    %dma_wait3A_312 = arith.constant 0 : i32
    %dma_wait3A_313 = arith.constant 104 : i32
    %dma_wait3A_314 = arith.constant 0 : i32
    %dma_wait3A_315 = tpu.memref_slice %arg6[%dma_wait3A_311, %dma_wait3A_312, %dma_wait3A_313, %dma_wait3A_314] : memref<3x2x200x64xf32, #tpu.memory_space<vmem>> -> memref<1x1x96x64xf32, #tpu.memory_space<vmem>>
    %dma_wait3A_316 = tpu.memref_squeeze %dma_wait3A_315 : memref<1x1x96x64xf32, #tpu.memory_space<vmem>> -> memref<96x64xf32, #tpu.memory_space<vmem>>
    %dma_wait3A_317 = arith.constant 104 : i32
    %dma_wait3A_318 = tpu.memref_slice %arg5[%dma_wait3A_310, %dma_wait3A_317] : memref<128x200xi32, #tpu.memory_space<vmem>> -> memref<1x96xi32, #tpu.memory_space<vmem>>
    %dma_wait3A_319 = tpu.memref_squeeze %dma_wait3A_318 : memref<1x96xi32, #tpu.memory_space<vmem>> -> memref<96xi32, #tpu.memory_space<vmem>>
    %dma_wait3A_320 = arith.constant 0 : i32
    %dma_wait3A_321 = arith.constant 0 : i32
    %dma_wait3A_322 = tpu.memref_slice %arg3[%dma_wait3A_320, %dma_wait3A_321] : memref<1048576x64xf32, #tpu.memory_space<hbm>> -> memref<1048576x64xf32, #tpu.memory_space<hbm>>
    tpu.wait_indirect_dma semaphore(%arg8 : memref<!tpu.dma_semaphore, #tpu.memory_space<semaphore_mem>>) src(%dma_wait3A_322 : memref<1048576x64xf32, #tpu.memory_space<hbm>>) dst(%dma_wait3A_316 : memref<96x64xf32, #tpu.memory_space<vmem>>)
    %dma_wait3A_323 = arith.constant 1 : i32
    %dma_wait3A_324 = arith.constant 1 : i32
    %dma_wait3A_325 = arith.constant 1 : i32
    %dma_wait3A_326 = arith.constant 0 : i32
    %dma_wait3A_327 = arith.constant 0 : i32
    %dma_wait3A_328 = tpu.memref_slice %arg6[%dma_wait3A_324, %dma_wait3A_325, %dma_wait3A_326, %dma_wait3A_327] : memref<3x2x200x64xf32, #tpu.memory_space<vmem>> -> memref<1x1x104x64xf32, #tpu.memory_space<vmem>>
    %dma_wait3A_329 = tpu.memref_squeeze %dma_wait3A_328 : memref<1x1x104x64xf32, #tpu.memory_space<vmem>> -> memref<104x64xf32, #tpu.memory_space<vmem>>
    %dma_wait3A_330 = arith.constant 0 : i32
    %dma_wait3A_331 = tpu.memref_slice %arg5[%dma_wait3A_323, %dma_wait3A_330] : memref<128x200xi32, #tpu.memory_space<vmem>> -> memref<1x104xi32, #tpu.memory_space<vmem>>
    %dma_wait3A_332 = tpu.memref_squeeze %dma_wait3A_331 : memref<1x104xi32, #tpu.memory_space<vmem>> -> memref<104xi32, #tpu.memory_space<vmem>>
    %dma_wait3A_333 = arith.constant 0 : i32
    %dma_wait3A_334 = arith.constant 0 : i32
    %dma_wait3A_335 = tpu.memref_slice %arg3[%dma_wait3A_333, %dma_wait3A_334] : memref<1048576x64xf32, #tpu.memory_space<hbm>> -> memref<1048576x64xf32, #tpu.memory_space<hbm>>
    tpu.wait_indirect_dma semaphore(%arg8 : memref<!tpu.dma_semaphore, #tpu.memory_space<semaphore_mem>>) src(%dma_wait3A_335 : memref<1048576x64xf32, #tpu.memory_space<hbm>>) dst(%dma_wait3A_329 : memref<104x64xf32, #tpu.memory_space<vmem>>)
    %dma_wait3A_336 = arith.constant 1 : i32
    %dma_wait3A_337 = arith.constant 1 : i32
    %dma_wait3A_338 = arith.constant 1 : i32
    %dma_wait3A_339 = arith.constant 104 : i32
    %dma_wait3A_340 = arith.constant 0 : i32
    %dma_wait3A_341 = tpu.memref_slice %arg6[%dma_wait3A_337, %dma_wait3A_338, %dma_wait3A_339, %dma_wait3A_340] : memref<3x2x200x64xf32, #tpu.memory_space<vmem>> -> memref<1x1x96x64xf32, #tpu.memory_space<vmem>>
    %dma_wait3A_342 = tpu.memref_squeeze %dma_wait3A_341 : memref<1x1x96x64xf32, #tpu.memory_space<vmem>> -> memref<96x64xf32, #tpu.memory_space<vmem>>
    %dma_wait3A_343 = arith.constant 104 : i32
    %dma_wait3A_344 = tpu.memref_slice %arg5[%dma_wait3A_336, %dma_wait3A_343] : memref<128x200xi32, #tpu.memory_space<vmem>> -> memref<1x96xi32, #tpu.memory_space<vmem>>
    %dma_wait3A_345 = tpu.memref_squeeze %dma_wait3A_344 : memref<1x96xi32, #tpu.memory_space<vmem>> -> memref<96xi32, #tpu.memory_space<vmem>>
    %dma_wait3A_346 = arith.constant 0 : i32
    %dma_wait3A_347 = arith.constant 0 : i32
    %dma_wait3A_348 = tpu.memref_slice %arg3[%dma_wait3A_346, %dma_wait3A_347] : memref<1048576x64xf32, #tpu.memory_space<hbm>> -> memref<1048576x64xf32, #tpu.memory_space<hbm>>
    tpu.wait_indirect_dma semaphore(%arg8 : memref<!tpu.dma_semaphore, #tpu.memory_space<semaphore_mem>>) src(%dma_wait3A_348 : memref<1048576x64xf32, #tpu.memory_space<hbm>>) dst(%dma_wait3A_342 : memref<96x64xf32, #tpu.memory_space<vmem>>)
    %add3A_349 = arith.constant 2 : i32
    %add3A_350 = arith.addi %mul3A_2, %add3A_349 : i32
    %dma_start3A_351 = arith.constant 1 : i32
    %dma_start3A_352 = arith.constant 0 : i32
    %dma_start3A_353 = arith.constant 0 : i32
    %dma_start3A_354 = arith.constant 0 : i32
    %dma_start3A_355 = tpu.memref_slice %arg6[%dma_start3A_351, %dma_start3A_352, %dma_start3A_353, %dma_start3A_354] : memref<3x2x200x64xf32, #tpu.memory_space<vmem>> -> memref<1x2x200x64xf32, #tpu.memory_space<vmem>>
    %dma_start3A_356 = tpu.memref_squeeze %dma_start3A_355 : memref<1x2x200x64xf32, #tpu.memory_space<vmem>> -> memref<2x200x64xf32, #tpu.memory_space<vmem>>
    %dma_start3A_357 = arith.constant 0 : i32
    %dma_start3A_358 = arith.constant 0 : i32
    %dma_start3A_359 = tpu.memref_slice %arg4[%add3A_350, %dma_start3A_357, %dma_start3A_358] : memref<4096x200x128xf32, #tpu.memory_space<hbm>> -> memref<2x200x64xf32, #tpu.memory_space<hbm>>
    %dma_start3A_360 = arith.constant 0 : i32
    %dma_start3A_361 = arith.constant 0 : i32
    %dma_start3A_362 = tpu.memref_slice %arg4[%add3A_350, %dma_start3A_360, %dma_start3A_361] : memref<4096x200x128xf32, #tpu.memory_space<hbm>> -> memref<2x200x64xf32, #tpu.memory_space<hbm>>
    %dma_start3A_363 = arith.constant 0 : i32
    %dma_start3A_364 = arith.constant 0 : i32
    %dma_start3A_365 = arith.constant 0 : i32
    %dma_start3A_366 = tpu.memref_slice %arg6[%dma_start3A_351, %dma_start3A_363, %dma_start3A_364, %dma_start3A_365] : memref<3x2x200x64xf32, #tpu.memory_space<vmem>> -> memref<1x2x200x64xf32, #tpu.memory_space<vmem>>
    %dma_start3A_367 = tpu.memref_squeeze %dma_start3A_366 : memref<1x2x200x64xf32, #tpu.memory_space<vmem>> -> memref<2x200x64xf32, #tpu.memory_space<vmem>>
    tpu.enqueue_dma source(%dma_start3A_367 : memref<2x200x64xf32, #tpu.memory_space<vmem>>) target(%dma_start3A_362 : memref<2x200x64xf32, #tpu.memory_space<hbm>>) target_semaphore(%arg11 : memref<!tpu.dma_semaphore, #tpu.memory_space<semaphore_mem>>)
    %scan3A = arith.constant 0 : i32
    %scan3A_368 = arith.constant 20 : i32
    %scan3A_369 = arith.addi %scan3A, %scan3A_368 : i32
    %scan3A_370 = arith.constant 1 : i32
    scf.for %scan3A_565 = %scan3A to %scan3A_369 step %scan3A_370  : i32 {
      %mul3A_566 = arith.constant 3 : i32
      %mul3A_567 = arith.muli %mul3A_566, %scan3A_565 : i32
      %add3A_568 = arith.constant 2 : i32
      %add3A_569 = arith.addi %add3A_568, %mul3A_567 : i32
      %dma_wait3A_570 = arith.constant 1 : i32
      %dma_wait3A_571 = arith.constant 0 : i32
      %dma_wait3A_572 = arith.constant 0 : i32
      %dma_wait3A_573 = arith.constant 0 : i32
      %dma_wait3A_574 = tpu.memref_slice %arg6[%dma_wait3A_570, %dma_wait3A_571, %dma_wait3A_572, %dma_wait3A_573] : memref<3x2x200x64xf32, #tpu.memory_space<vmem>> -> memref<1x2x200x64xf32, #tpu.memory_space<vmem>>
      %dma_wait3A_575 = tpu.memref_squeeze %dma_wait3A_574 : memref<1x2x200x64xf32, #tpu.memory_space<vmem>> -> memref<2x200x64xf32, #tpu.memory_space<vmem>>
      %dma_wait3A_576 = arith.constant 0 : i32
      %dma_wait3A_577 = arith.constant 0 : i32
      %dma_wait3A_578 = tpu.memref_slice %arg4[%mul3A_2, %dma_wait3A_576, %dma_wait3A_577] : memref<4096x200x128xf32, #tpu.memory_space<hbm>> -> memref<2x200x64xf32, #tpu.memory_space<hbm>>
      %dma_wait3A_579 = arith.constant 0 : i32
      %dma_wait3A_580 = arith.constant 0 : i32
      %dma_wait3A_581 = tpu.memref_slice %arg4[%mul3A_2, %dma_wait3A_579, %dma_wait3A_580] : memref<4096x200x128xf32, #tpu.memory_space<hbm>> -> memref<2x200x64xf32, #tpu.memory_space<hbm>>
      %dma_wait3A_582 = arith.constant 0 : i32
      %dma_wait3A_583 = arith.constant 0 : i32
      %dma_wait3A_584 = arith.constant 0 : i32
      %dma_wait3A_585 = tpu.memref_slice %arg6[%dma_wait3A_570, %dma_wait3A_582, %dma_wait3A_583, %dma_wait3A_584] : memref<3x2x200x64xf32, #tpu.memory_space<vmem>> -> memref<1x2x200x64xf32, #tpu.memory_space<vmem>>
      %dma_wait3A_586 = tpu.memref_squeeze %dma_wait3A_585 : memref<1x2x200x64xf32, #tpu.memory_space<vmem>> -> memref<2x200x64xf32, #tpu.memory_space<vmem>>
      tpu.wait_dma2 semaphore(%arg11 : memref<!tpu.dma_semaphore, #tpu.memory_space<semaphore_mem>>) src(%dma_wait3A_586 : memref<2x200x64xf32, #tpu.memory_space<vmem>>) dst(%dma_wait3A_581 : memref<2x200x64xf32, #tpu.memory_space<hbm>>)
      %add3A_587 = arith.constant 2 : i32
      %add3A_588 = arith.addi %add3A_569, %add3A_587 : i32
      %mul3A_589 = arith.constant 2 : i32
      %mul3A_590 = arith.muli %add3A_588, %mul3A_589 : i32
      %add3A_591 = arith.constant 0 : i32
      %add3A_592 = arith.addi %mul3A_590, %add3A_591 : i32
      %dma_start3A_593 = arith.constant 1 : i32
      %dma_start3A_594 = arith.constant 0 : i32
      %dma_start3A_595 = arith.constant 0 : i32
      %dma_start3A_596 = arith.constant 0 : i32
      %dma_start3A_597 = tpu.memref_slice %arg6[%dma_start3A_593, %dma_start3A_594, %dma_start3A_595, %dma_start3A_596] : memref<3x2x200x64xf32, #tpu.memory_space<vmem>> -> memref<1x1x104x64xf32, #tpu.memory_space<vmem>>
      %dma_start3A_598 = tpu.memref_squeeze %dma_start3A_597 : memref<1x1x104x64xf32, #tpu.memory_space<vmem>> -> memref<104x64xf32, #tpu.memory_space<vmem>>
      %dma_start3A_599 = arith.constant 0 : i32
      %dma_start3A_600 = tpu.memref_slice %arg5[%add3A_592, %dma_start3A_599] : memref<128x200xi32, #tpu.memory_space<vmem>> -> memref<1x104xi32, #tpu.memory_space<vmem>>
      %dma_start3A_601 = tpu.memref_squeeze %dma_start3A_600 : memref<1x104xi32, #tpu.memory_space<vmem>> -> memref<104xi32, #tpu.memory_space<vmem>>
      %dma_start3A_602 = arith.constant 0 : i32
      %dma_start3A_603 = arith.constant 0 : i32
      %dma_start3A_604 = tpu.memref_slice %arg3[%dma_start3A_602, %dma_start3A_603] : memref<1048576x64xf32, #tpu.memory_space<hbm>> -> memref<1048576x64xf32, #tpu.memory_space<hbm>>
      tpu.enqueue_indirect_dma source(%dma_start3A_604 : memref<1048576x64xf32, #tpu.memory_space<hbm>>) target(%dma_start3A_598 : memref<104x64xf32, #tpu.memory_space<vmem>>) offsets(%dma_start3A_601 : memref<104xi32, #tpu.memory_space<vmem>>) semaphore(%arg8 : memref<!tpu.dma_semaphore, #tpu.memory_space<semaphore_mem>>)
      %mul3A_605 = arith.constant 2 : i32
      %mul3A_606 = arith.muli %add3A_588, %mul3A_605 : i32
      %add3A_607 = arith.constant 0 : i32
      %add3A_608 = arith.addi %mul3A_606, %add3A_607 : i32
      %dma_start3A_609 = arith.constant 1 : i32
      %dma_start3A_610 = arith.constant 0 : i32
      %dma_start3A_611 = arith.constant 104 : i32
      %dma_start3A_612 = arith.constant 0 : i32
      %dma_start3A_613 = tpu.memref_slice %arg6[%dma_start3A_609, %dma_start3A_610, %dma_start3A_611, %dma_start3A_612] : memref<3x2x200x64xf32, #tpu.memory_space<vmem>> -> memref<1x1x96x64xf32, #tpu.memory_space<vmem>>
      %dma_start3A_614 = tpu.memref_squeeze %dma_start3A_613 : memref<1x1x96x64xf32, #tpu.memory_space<vmem>> -> memref<96x64xf32, #tpu.memory_space<vmem>>
      %dma_start3A_615 = arith.constant 104 : i32
      %dma_start3A_616 = tpu.memref_slice %arg5[%add3A_608, %dma_start3A_615] : memref<128x200xi32, #tpu.memory_space<vmem>> -> memref<1x96xi32, #tpu.memory_space<vmem>>
      %dma_start3A_617 = tpu.memref_squeeze %dma_start3A_616 : memref<1x96xi32, #tpu.memory_space<vmem>> -> memref<96xi32, #tpu.memory_space<vmem>>
      %dma_start3A_618 = arith.constant 0 : i32
      %dma_start3A_619 = arith.constant 0 : i32
      %dma_start3A_620 = tpu.memref_slice %arg3[%dma_start3A_618, %dma_start3A_619] : memref<1048576x64xf32, #tpu.memory_space<hbm>> -> memref<1048576x64xf32, #tpu.memory_space<hbm>>
      tpu.enqueue_indirect_dma source(%dma_start3A_620 : memref<1048576x64xf32, #tpu.memory_space<hbm>>) target(%dma_start3A_614 : memref<96x64xf32, #tpu.memory_space<vmem>>) offsets(%dma_start3A_617 : memref<96xi32, #tpu.memory_space<vmem>>) semaphore(%arg8 : memref<!tpu.dma_semaphore, #tpu.memory_space<semaphore_mem>>)
      %mul3A_621 = arith.constant 2 : i32
      %mul3A_622 = arith.muli %add3A_588, %mul3A_621 : i32
      %add3A_623 = arith.constant 1 : i32
      %add3A_624 = arith.addi %mul3A_622, %add3A_623 : i32
      %dma_start3A_625 = arith.constant 1 : i32
      %dma_start3A_626 = arith.constant 1 : i32
      %dma_start3A_627 = arith.constant 0 : i32
      %dma_start3A_628 = arith.constant 0 : i32
      %dma_start3A_629 = tpu.memref_slice %arg6[%dma_start3A_625, %dma_start3A_626, %dma_start3A_627, %dma_start3A_628] : memref<3x2x200x64xf32, #tpu.memory_space<vmem>> -> memref<1x1x104x64xf32, #tpu.memory_space<vmem>>
      %dma_start3A_630 = tpu.memref_squeeze %dma_start3A_629 : memref<1x1x104x64xf32, #tpu.memory_space<vmem>> -> memref<104x64xf32, #tpu.memory_space<vmem>>
      %dma_start3A_631 = arith.constant 0 : i32
      %dma_start3A_632 = tpu.memref_slice %arg5[%add3A_624, %dma_start3A_631] : memref<128x200xi32, #tpu.memory_space<vmem>> -> memref<1x104xi32, #tpu.memory_space<vmem>>
      %dma_start3A_633 = tpu.memref_squeeze %dma_start3A_632 : memref<1x104xi32, #tpu.memory_space<vmem>> -> memref<104xi32, #tpu.memory_space<vmem>>
      %dma_start3A_634 = arith.constant 0 : i32
      %dma_start3A_635 = arith.constant 0 : i32
      %dma_start3A_636 = tpu.memref_slice %arg3[%dma_start3A_634, %dma_start3A_635] : memref<1048576x64xf32, #tpu.memory_space<hbm>> -> memref<1048576x64xf32, #tpu.memory_space<hbm>>
      tpu.enqueue_indirect_dma source(%dma_start3A_636 : memref<1048576x64xf32, #tpu.memory_space<hbm>>) target(%dma_start3A_630 : memref<104x64xf32, #tpu.memory_space<vmem>>) offsets(%dma_start3A_633 : memref<104xi32, #tpu.memory_space<vmem>>) semaphore(%arg8 : memref<!tpu.dma_semaphore, #tpu.memory_space<semaphore_mem>>)
      %mul3A_637 = arith.constant 2 : i32
      %mul3A_638 = arith.muli %add3A_588, %mul3A_637 : i32
      %add3A_639 = arith.constant 1 : i32
      %add3A_640 = arith.addi %mul3A_638, %add3A_639 : i32
      %dma_start3A_641 = arith.constant 1 : i32
      %dma_start3A_642 = arith.constant 1 : i32
      %dma_start3A_643 = arith.constant 104 : i32
      %dma_start3A_644 = arith.constant 0 : i32
      %dma_start3A_645 = tpu.memref_slice %arg6[%dma_start3A_641, %dma_start3A_642, %dma_start3A_643, %dma_start3A_644] : memref<3x2x200x64xf32, #tpu.memory_space<vmem>> -> memref<1x1x96x64xf32, #tpu.memory_space<vmem>>
      %dma_start3A_646 = tpu.memref_squeeze %dma_start3A_645 : memref<1x1x96x64xf32, #tpu.memory_space<vmem>> -> memref<96x64xf32, #tpu.memory_space<vmem>>
      %dma_start3A_647 = arith.constant 104 : i32
      %dma_start3A_648 = tpu.memref_slice %arg5[%add3A_640, %dma_start3A_647] : memref<128x200xi32, #tpu.memory_space<vmem>> -> memref<1x96xi32, #tpu.memory_space<vmem>>
      %dma_start3A_649 = tpu.memref_squeeze %dma_start3A_648 : memref<1x96xi32, #tpu.memory_space<vmem>> -> memref<96xi32, #tpu.memory_space<vmem>>
      %dma_start3A_650 = arith.constant 0 : i32
      %dma_start3A_651 = arith.constant 0 : i32
      %dma_start3A_652 = tpu.memref_slice %arg3[%dma_start3A_650, %dma_start3A_651] : memref<1048576x64xf32, #tpu.memory_space<hbm>> -> memref<1048576x64xf32, #tpu.memory_space<hbm>>
      tpu.enqueue_indirect_dma source(%dma_start3A_652 : memref<1048576x64xf32, #tpu.memory_space<hbm>>) target(%dma_start3A_646 : memref<96x64xf32, #tpu.memory_space<vmem>>) offsets(%dma_start3A_649 : memref<96xi32, #tpu.memory_space<vmem>>) semaphore(%arg8 : memref<!tpu.dma_semaphore, #tpu.memory_space<semaphore_mem>>)
      %dma_wait3A_653 = arith.constant 0 : i32
      %dma_wait3A_654 = arith.constant 2 : i32
      %dma_wait3A_655 = arith.constant 0 : i32
      %dma_wait3A_656 = arith.constant 0 : i32
      %dma_wait3A_657 = arith.constant 0 : i32
      %dma_wait3A_658 = tpu.memref_slice %arg6[%dma_wait3A_654, %dma_wait3A_655, %dma_wait3A_656, %dma_wait3A_657] : memref<3x2x200x64xf32, #tpu.memory_space<vmem>> -> memref<1x1x104x64xf32, #tpu.memory_space<vmem>>
      %dma_wait3A_659 = tpu.memref_squeeze %dma_wait3A_658 : memref<1x1x104x64xf32, #tpu.memory_space<vmem>> -> memref<104x64xf32, #tpu.memory_space<vmem>>
      %dma_wait3A_660 = arith.constant 0 : i32
      %dma_wait3A_661 = tpu.memref_slice %arg5[%dma_wait3A_653, %dma_wait3A_660] : memref<128x200xi32, #tpu.memory_space<vmem>> -> memref<1x104xi32, #tpu.memory_space<vmem>>
      %dma_wait3A_662 = tpu.memref_squeeze %dma_wait3A_661 : memref<1x104xi32, #tpu.memory_space<vmem>> -> memref<104xi32, #tpu.memory_space<vmem>>
      %dma_wait3A_663 = arith.constant 0 : i32
      %dma_wait3A_664 = arith.constant 0 : i32
      %dma_wait3A_665 = tpu.memref_slice %arg3[%dma_wait3A_663, %dma_wait3A_664] : memref<1048576x64xf32, #tpu.memory_space<hbm>> -> memref<1048576x64xf32, #tpu.memory_space<hbm>>
      tpu.wait_indirect_dma semaphore(%arg9 : memref<!tpu.dma_semaphore, #tpu.memory_space<semaphore_mem>>) src(%dma_wait3A_665 : memref<1048576x64xf32, #tpu.memory_space<hbm>>) dst(%dma_wait3A_659 : memref<104x64xf32, #tpu.memory_space<vmem>>)
      %dma_wait3A_666 = arith.constant 0 : i32
      %dma_wait3A_667 = arith.constant 2 : i32
      %dma_wait3A_668 = arith.constant 0 : i32
      %dma_wait3A_669 = arith.constant 104 : i32
      %dma_wait3A_670 = arith.constant 0 : i32
      %dma_wait3A_671 = tpu.memref_slice %arg6[%dma_wait3A_667, %dma_wait3A_668, %dma_wait3A_669, %dma_wait3A_670] : memref<3x2x200x64xf32, #tpu.memory_space<vmem>> -> memref<1x1x96x64xf32, #tpu.memory_space<vmem>>
      %dma_wait3A_672 = tpu.memref_squeeze %dma_wait3A_671 : memref<1x1x96x64xf32, #tpu.memory_space<vmem>> -> memref<96x64xf32, #tpu.memory_space<vmem>>
      %dma_wait3A_673 = arith.constant 104 : i32
      %dma_wait3A_674 = tpu.memref_slice %arg5[%dma_wait3A_666, %dma_wait3A_673] : memref<128x200xi32, #tpu.memory_space<vmem>> -> memref<1x96xi32, #tpu.memory_space<vmem>>
      %dma_wait3A_675 = tpu.memref_squeeze %dma_wait3A_674 : memref<1x96xi32, #tpu.memory_space<vmem>> -> memref<96xi32, #tpu.memory_space<vmem>>
      %dma_wait3A_676 = arith.constant 0 : i32
      %dma_wait3A_677 = arith.constant 0 : i32
      %dma_wait3A_678 = tpu.memref_slice %arg3[%dma_wait3A_676, %dma_wait3A_677] : memref<1048576x64xf32, #tpu.memory_space<hbm>> -> memref<1048576x64xf32, #tpu.memory_space<hbm>>
      tpu.wait_indirect_dma semaphore(%arg9 : memref<!tpu.dma_semaphore, #tpu.memory_space<semaphore_mem>>) src(%dma_wait3A_678 : memref<1048576x64xf32, #tpu.memory_space<hbm>>) dst(%dma_wait3A_672 : memref<96x64xf32, #tpu.memory_space<vmem>>)
      %dma_wait3A_679 = arith.constant 1 : i32
      %dma_wait3A_680 = arith.constant 2 : i32
      %dma_wait3A_681 = arith.constant 1 : i32
      %dma_wait3A_682 = arith.constant 0 : i32
      %dma_wait3A_683 = arith.constant 0 : i32
      %dma_wait3A_684 = tpu.memref_slice %arg6[%dma_wait3A_680, %dma_wait3A_681, %dma_wait3A_682, %dma_wait3A_683] : memref<3x2x200x64xf32, #tpu.memory_space<vmem>> -> memref<1x1x104x64xf32, #tpu.memory_space<vmem>>
      %dma_wait3A_685 = tpu.memref_squeeze %dma_wait3A_684 : memref<1x1x104x64xf32, #tpu.memory_space<vmem>> -> memref<104x64xf32, #tpu.memory_space<vmem>>
      %dma_wait3A_686 = arith.constant 0 : i32
      %dma_wait3A_687 = tpu.memref_slice %arg5[%dma_wait3A_679, %dma_wait3A_686] : memref<128x200xi32, #tpu.memory_space<vmem>> -> memref<1x104xi32, #tpu.memory_space<vmem>>
      %dma_wait3A_688 = tpu.memref_squeeze %dma_wait3A_687 : memref<1x104xi32, #tpu.memory_space<vmem>> -> memref<104xi32, #tpu.memory_space<vmem>>
      %dma_wait3A_689 = arith.constant 0 : i32
      %dma_wait3A_690 = arith.constant 0 : i32
      %dma_wait3A_691 = tpu.memref_slice %arg3[%dma_wait3A_689, %dma_wait3A_690] : memref<1048576x64xf32, #tpu.memory_space<hbm>> -> memref<1048576x64xf32, #tpu.memory_space<hbm>>
      tpu.wait_indirect_dma semaphore(%arg9 : memref<!tpu.dma_semaphore, #tpu.memory_space<semaphore_mem>>) src(%dma_wait3A_691 : memref<1048576x64xf32, #tpu.memory_space<hbm>>) dst(%dma_wait3A_685 : memref<104x64xf32, #tpu.memory_space<vmem>>)
      %dma_wait3A_692 = arith.constant 1 : i32
      %dma_wait3A_693 = arith.constant 2 : i32
      %dma_wait3A_694 = arith.constant 1 : i32
      %dma_wait3A_695 = arith.constant 104 : i32
      %dma_wait3A_696 = arith.constant 0 : i32
      %dma_wait3A_697 = tpu.memref_slice %arg6[%dma_wait3A_693, %dma_wait3A_694, %dma_wait3A_695, %dma_wait3A_696] : memref<3x2x200x64xf32, #tpu.memory_space<vmem>> -> memref<1x1x96x64xf32, #tpu.memory_space<vmem>>
      %dma_wait3A_698 = tpu.memref_squeeze %dma_wait3A_697 : memref<1x1x96x64xf32, #tpu.memory_space<vmem>> -> memref<96x64xf32, #tpu.memory_space<vmem>>
      %dma_wait3A_699 = arith.constant 104 : i32
      %dma_wait3A_700 = tpu.memref_slice %arg5[%dma_wait3A_692, %dma_wait3A_699] : memref<128x200xi32, #tpu.memory_space<vmem>> -> memref<1x96xi32, #tpu.memory_space<vmem>>
      %dma_wait3A_701 = tpu.memref_squeeze %dma_wait3A_700 : memref<1x96xi32, #tpu.memory_space<vmem>> -> memref<96xi32, #tpu.memory_space<vmem>>
      %dma_wait3A_702 = arith.constant 0 : i32
      %dma_wait3A_703 = arith.constant 0 : i32
      %dma_wait3A_704 = tpu.memref_slice %arg3[%dma_wait3A_702, %dma_wait3A_703] : memref<1048576x64xf32, #tpu.memory_space<hbm>> -> memref<1048576x64xf32, #tpu.memory_space<hbm>>
      tpu.wait_indirect_dma semaphore(%arg9 : memref<!tpu.dma_semaphore, #tpu.memory_space<semaphore_mem>>) src(%dma_wait3A_704 : memref<1048576x64xf32, #tpu.memory_space<hbm>>) dst(%dma_wait3A_698 : memref<96x64xf32, #tpu.memory_space<vmem>>)
      %mul3A_705 = arith.constant 2 : i32
      %mul3A_706 = arith.muli %add3A_569, %mul3A_705 : i32
      %add3A_707 = arith.addi %mul3A_2, %mul3A_706 : i32
      %dma_start3A_708 = arith.constant 2 : i32
      %dma_start3A_709 = arith.constant 0 : i32
      %dma_start3A_710 = arith.constant 0 : i32
      %dma_start3A_711 = arith.constant 0 : i32
      %dma_start3A_712 = tpu.memref_slice %arg6[%dma_start3A_708, %dma_start3A_709, %dma_start3A_710, %dma_start3A_711] : memref<3x2x200x64xf32, #tpu.memory_space<vmem>> -> memref<1x2x200x64xf32, #tpu.memory_space<vmem>>
      %dma_start3A_713 = tpu.memref_squeeze %dma_start3A_712 : memref<1x2x200x64xf32, #tpu.memory_space<vmem>> -> memref<2x200x64xf32, #tpu.memory_space<vmem>>
      %dma_start3A_714 = arith.constant 0 : i32
      %dma_start3A_715 = arith.constant 0 : i32
      %dma_start3A_716 = tpu.memref_slice %arg4[%add3A_707, %dma_start3A_714, %dma_start3A_715] : memref<4096x200x128xf32, #tpu.memory_space<hbm>> -> memref<2x200x64xf32, #tpu.memory_space<hbm>>
      %dma_start3A_717 = arith.constant 0 : i32
      %dma_start3A_718 = arith.constant 0 : i32
      %dma_start3A_719 = tpu.memref_slice %arg4[%add3A_707, %dma_start3A_717, %dma_start3A_718] : memref<4096x200x128xf32, #tpu.memory_space<hbm>> -> memref<2x200x64xf32, #tpu.memory_space<hbm>>
      %dma_start3A_720 = arith.constant 0 : i32
      %dma_start3A_721 = arith.constant 0 : i32
      %dma_start3A_722 = arith.constant 0 : i32
      %dma_start3A_723 = tpu.memref_slice %arg6[%dma_start3A_708, %dma_start3A_720, %dma_start3A_721, %dma_start3A_722] : memref<3x2x200x64xf32, #tpu.memory_space<vmem>> -> memref<1x2x200x64xf32, #tpu.memory_space<vmem>>
      %dma_start3A_724 = tpu.memref_squeeze %dma_start3A_723 : memref<1x2x200x64xf32, #tpu.memory_space<vmem>> -> memref<2x200x64xf32, #tpu.memory_space<vmem>>
      tpu.enqueue_dma source(%dma_start3A_724 : memref<2x200x64xf32, #tpu.memory_space<vmem>>) target(%dma_start3A_719 : memref<2x200x64xf32, #tpu.memory_space<hbm>>) target_semaphore(%arg12 : memref<!tpu.dma_semaphore, #tpu.memory_space<semaphore_mem>>)
      %add3A_725 = arith.constant 1 : i32
      %add3A_726 = arith.addi %add3A_569, %add3A_725 : i32
      %dma_wait3A_727 = arith.constant 2 : i32
      %dma_wait3A_728 = arith.constant 0 : i32
      %dma_wait3A_729 = arith.constant 0 : i32
      %dma_wait3A_730 = arith.constant 0 : i32
      %dma_wait3A_731 = tpu.memref_slice %arg6[%dma_wait3A_727, %dma_wait3A_728, %dma_wait3A_729, %dma_wait3A_730] : memref<3x2x200x64xf32, #tpu.memory_space<vmem>> -> memref<1x2x200x64xf32, #tpu.memory_space<vmem>>
      %dma_wait3A_732 = tpu.memref_squeeze %dma_wait3A_731 : memref<1x2x200x64xf32, #tpu.memory_space<vmem>> -> memref<2x200x64xf32, #tpu.memory_space<vmem>>
      %dma_wait3A_733 = arith.constant 0 : i32
      %dma_wait3A_734 = arith.constant 0 : i32
      %dma_wait3A_735 = tpu.memref_slice %arg4[%mul3A_2, %dma_wait3A_733, %dma_wait3A_734] : memref<4096x200x128xf32, #tpu.memory_space<hbm>> -> memref<2x200x64xf32, #tpu.memory_space<hbm>>
      %dma_wait3A_736 = arith.constant 0 : i32
      %dma_wait3A_737 = arith.constant 0 : i32
      %dma_wait3A_738 = tpu.memref_slice %arg4[%mul3A_2, %dma_wait3A_736, %dma_wait3A_737] : memref<4096x200x128xf32, #tpu.memory_space<hbm>> -> memref<2x200x64xf32, #tpu.memory_space<hbm>>
      %dma_wait3A_739 = arith.constant 0 : i32
      %dma_wait3A_740 = arith.constant 0 : i32
      %dma_wait3A_741 = arith.constant 0 : i32
      %dma_wait3A_742 = tpu.memref_slice %arg6[%dma_wait3A_727, %dma_wait3A_739, %dma_wait3A_740, %dma_wait3A_741] : memref<3x2x200x64xf32, #tpu.memory_space<vmem>> -> memref<1x2x200x64xf32, #tpu.memory_space<vmem>>
      %dma_wait3A_743 = tpu.memref_squeeze %dma_wait3A_742 : memref<1x2x200x64xf32, #tpu.memory_space<vmem>> -> memref<2x200x64xf32, #tpu.memory_space<vmem>>
      tpu.wait_dma2 semaphore(%arg12 : memref<!tpu.dma_semaphore, #tpu.memory_space<semaphore_mem>>) src(%dma_wait3A_743 : memref<2x200x64xf32, #tpu.memory_space<vmem>>) dst(%dma_wait3A_738 : memref<2x200x64xf32, #tpu.memory_space<hbm>>)
      %add3A_744 = arith.constant 2 : i32
      %add3A_745 = arith.addi %add3A_726, %add3A_744 : i32
      %mul3A_746 = arith.constant 2 : i32
      %mul3A_747 = arith.muli %add3A_745, %mul3A_746 : i32
      %add3A_748 = arith.constant 0 : i32
      %add3A_749 = arith.addi %mul3A_747, %add3A_748 : i32
      %dma_start3A_750 = arith.constant 2 : i32
      %dma_start3A_751 = arith.constant 0 : i32
      %dma_start3A_752 = arith.constant 0 : i32
      %dma_start3A_753 = arith.constant 0 : i32
      %dma_start3A_754 = tpu.memref_slice %arg6[%dma_start3A_750, %dma_start3A_751, %dma_start3A_752, %dma_start3A_753] : memref<3x2x200x64xf32, #tpu.memory_space<vmem>> -> memref<1x1x104x64xf32, #tpu.memory_space<vmem>>
      %dma_start3A_755 = tpu.memref_squeeze %dma_start3A_754 : memref<1x1x104x64xf32, #tpu.memory_space<vmem>> -> memref<104x64xf32, #tpu.memory_space<vmem>>
      %dma_start3A_756 = arith.constant 0 : i32
      %dma_start3A_757 = tpu.memref_slice %arg5[%add3A_749, %dma_start3A_756] : memref<128x200xi32, #tpu.memory_space<vmem>> -> memref<1x104xi32, #tpu.memory_space<vmem>>
      %dma_start3A_758 = tpu.memref_squeeze %dma_start3A_757 : memref<1x104xi32, #tpu.memory_space<vmem>> -> memref<104xi32, #tpu.memory_space<vmem>>
      %dma_start3A_759 = arith.constant 0 : i32
      %dma_start3A_760 = arith.constant 0 : i32
      %dma_start3A_761 = tpu.memref_slice %arg3[%dma_start3A_759, %dma_start3A_760] : memref<1048576x64xf32, #tpu.memory_space<hbm>> -> memref<1048576x64xf32, #tpu.memory_space<hbm>>
      tpu.enqueue_indirect_dma source(%dma_start3A_761 : memref<1048576x64xf32, #tpu.memory_space<hbm>>) target(%dma_start3A_755 : memref<104x64xf32, #tpu.memory_space<vmem>>) offsets(%dma_start3A_758 : memref<104xi32, #tpu.memory_space<vmem>>) semaphore(%arg9 : memref<!tpu.dma_semaphore, #tpu.memory_space<semaphore_mem>>)
      %mul3A_762 = arith.constant 2 : i32
      %mul3A_763 = arith.muli %add3A_745, %mul3A_762 : i32
      %add3A_764 = arith.constant 0 : i32
      %add3A_765 = arith.addi %mul3A_763, %add3A_764 : i32
      %dma_start3A_766 = arith.constant 2 : i32
      %dma_start3A_767 = arith.constant 0 : i32
      %dma_start3A_768 = arith.constant 104 : i32
      %dma_start3A_769 = arith.constant 0 : i32
      %dma_start3A_770 = tpu.memref_slice %arg6[%dma_start3A_766, %dma_start3A_767, %dma_start3A_768, %dma_start3A_769] : memref<3x2x200x64xf32, #tpu.memory_space<vmem>> -> memref<1x1x96x64xf32, #tpu.memory_space<vmem>>
      %dma_start3A_771 = tpu.memref_squeeze %dma_start3A_770 : memref<1x1x96x64xf32, #tpu.memory_space<vmem>> -> memref<96x64xf32, #tpu.memory_space<vmem>>
      %dma_start3A_772 = arith.constant 104 : i32
      %dma_start3A_773 = tpu.memref_slice %arg5[%add3A_765, %dma_start3A_772] : memref<128x200xi32, #tpu.memory_space<vmem>> -> memref<1x96xi32, #tpu.memory_space<vmem>>
      %dma_start3A_774 = tpu.memref_squeeze %dma_start3A_773 : memref<1x96xi32, #tpu.memory_space<vmem>> -> memref<96xi32, #tpu.memory_space<vmem>>
      %dma_start3A_775 = arith.constant 0 : i32
      %dma_start3A_776 = arith.constant 0 : i32
      %dma_start3A_777 = tpu.memref_slice %arg3[%dma_start3A_775, %dma_start3A_776] : memref<1048576x64xf32, #tpu.memory_space<hbm>> -> memref<1048576x64xf32, #tpu.memory_space<hbm>>
      tpu.enqueue_indirect_dma source(%dma_start3A_777 : memref<1048576x64xf32, #tpu.memory_space<hbm>>) target(%dma_start3A_771 : memref<96x64xf32, #tpu.memory_space<vmem>>) offsets(%dma_start3A_774 : memref<96xi32, #tpu.memory_space<vmem>>) semaphore(%arg9 : memref<!tpu.dma_semaphore, #tpu.memory_space<semaphore_mem>>)
      %mul3A_778 = arith.constant 2 : i32
      %mul3A_779 = arith.muli %add3A_745, %mul3A_778 : i32
      %add3A_780 = arith.constant 1 : i32
      %add3A_781 = arith.addi %mul3A_779, %add3A_780 : i32
      %dma_start3A_782 = arith.constant 2 : i32
      %dma_start3A_783 = arith.constant 1 : i32
      %dma_start3A_784 = arith.constant 0 : i32
      %dma_start3A_785 = arith.constant 0 : i32
      %dma_start3A_786 = tpu.memref_slice %arg6[%dma_start3A_782, %dma_start3A_783, %dma_start3A_784, %dma_start3A_785] : memref<3x2x200x64xf32, #tpu.memory_space<vmem>> -> memref<1x1x104x64xf32, #tpu.memory_space<vmem>>
      %dma_start3A_787 = tpu.memref_squeeze %dma_start3A_786 : memref<1x1x104x64xf32, #tpu.memory_space<vmem>> -> memref<104x64xf32, #tpu.memory_space<vmem>>
      %dma_start3A_788 = arith.constant 0 : i32
      %dma_start3A_789 = tpu.memref_slice %arg5[%add3A_781, %dma_start3A_788] : memref<128x200xi32, #tpu.memory_space<vmem>> -> memref<1x104xi32, #tpu.memory_space<vmem>>
      %dma_start3A_790 = tpu.memref_squeeze %dma_start3A_789 : memref<1x104xi32, #tpu.memory_space<vmem>> -> memref<104xi32, #tpu.memory_space<vmem>>
      %dma_start3A_791 = arith.constant 0 : i32
      %dma_start3A_792 = arith.constant 0 : i32
      %dma_start3A_793 = tpu.memref_slice %arg3[%dma_start3A_791, %dma_start3A_792] : memref<1048576x64xf32, #tpu.memory_space<hbm>> -> memref<1048576x64xf32, #tpu.memory_space<hbm>>
      tpu.enqueue_indirect_dma source(%dma_start3A_793 : memref<1048576x64xf32, #tpu.memory_space<hbm>>) target(%dma_start3A_787 : memref<104x64xf32, #tpu.memory_space<vmem>>) offsets(%dma_start3A_790 : memref<104xi32, #tpu.memory_space<vmem>>) semaphore(%arg9 : memref<!tpu.dma_semaphore, #tpu.memory_space<semaphore_mem>>)
      %mul3A_794 = arith.constant 2 : i32
      %mul3A_795 = arith.muli %add3A_745, %mul3A_794 : i32
      %add3A_796 = arith.constant 1 : i32
      %add3A_797 = arith.addi %mul3A_795, %add3A_796 : i32
      %dma_start3A_798 = arith.constant 2 : i32
      %dma_start3A_799 = arith.constant 1 : i32
      %dma_start3A_800 = arith.constant 104 : i32
      %dma_start3A_801 = arith.constant 0 : i32
      %dma_start3A_802 = tpu.memref_slice %arg6[%dma_start3A_798, %dma_start3A_799, %dma_start3A_800, %dma_start3A_801] : memref<3x2x200x64xf32, #tpu.memory_space<vmem>> -> memref<1x1x96x64xf32, #tpu.memory_space<vmem>>
      %dma_start3A_803 = tpu.memref_squeeze %dma_start3A_802 : memref<1x1x96x64xf32, #tpu.memory_space<vmem>> -> memref<96x64xf32, #tpu.memory_space<vmem>>
      %dma_start3A_804 = arith.constant 104 : i32
      %dma_start3A_805 = tpu.memref_slice %arg5[%add3A_797, %dma_start3A_804] : memref<128x200xi32, #tpu.memory_space<vmem>> -> memref<1x96xi32, #tpu.memory_space<vmem>>
      %dma_start3A_806 = tpu.memref_squeeze %dma_start3A_805 : memref<1x96xi32, #tpu.memory_space<vmem>> -> memref<96xi32, #tpu.memory_space<vmem>>
      %dma_start3A_807 = arith.constant 0 : i32
      %dma_start3A_808 = arith.constant 0 : i32
      %dma_start3A_809 = tpu.memref_slice %arg3[%dma_start3A_807, %dma_start3A_808] : memref<1048576x64xf32, #tpu.memory_space<hbm>> -> memref<1048576x64xf32, #tpu.memory_space<hbm>>
      tpu.enqueue_indirect_dma source(%dma_start3A_809 : memref<1048576x64xf32, #tpu.memory_space<hbm>>) target(%dma_start3A_803 : memref<96x64xf32, #tpu.memory_space<vmem>>) offsets(%dma_start3A_806 : memref<96xi32, #tpu.memory_space<vmem>>) semaphore(%arg9 : memref<!tpu.dma_semaphore, #tpu.memory_space<semaphore_mem>>)
      %dma_wait3A_810 = arith.constant 0 : i32
      %dma_wait3A_811 = arith.constant 0 : i32
      %dma_wait3A_812 = arith.constant 0 : i32
      %dma_wait3A_813 = arith.constant 0 : i32
      %dma_wait3A_814 = arith.constant 0 : i32
      %dma_wait3A_815 = tpu.memref_slice %arg6[%dma_wait3A_811, %dma_wait3A_812, %dma_wait3A_813, %dma_wait3A_814] : memref<3x2x200x64xf32, #tpu.memory_space<vmem>> -> memref<1x1x104x64xf32, #tpu.memory_space<vmem>>
      %dma_wait3A_816 = tpu.memref_squeeze %dma_wait3A_815 : memref<1x1x104x64xf32, #tpu.memory_space<vmem>> -> memref<104x64xf32, #tpu.memory_space<vmem>>
      %dma_wait3A_817 = arith.constant 0 : i32
      %dma_wait3A_818 = tpu.memref_slice %arg5[%dma_wait3A_810, %dma_wait3A_817] : memref<128x200xi32, #tpu.memory_space<vmem>> -> memref<1x104xi32, #tpu.memory_space<vmem>>
      %dma_wait3A_819 = tpu.memref_squeeze %dma_wait3A_818 : memref<1x104xi32, #tpu.memory_space<vmem>> -> memref<104xi32, #tpu.memory_space<vmem>>
      %dma_wait3A_820 = arith.constant 0 : i32
      %dma_wait3A_821 = arith.constant 0 : i32
      %dma_wait3A_822 = tpu.memref_slice %arg3[%dma_wait3A_820, %dma_wait3A_821] : memref<1048576x64xf32, #tpu.memory_space<hbm>> -> memref<1048576x64xf32, #tpu.memory_space<hbm>>
      tpu.wait_indirect_dma semaphore(%arg7 : memref<!tpu.dma_semaphore, #tpu.memory_space<semaphore_mem>>) src(%dma_wait3A_822 : memref<1048576x64xf32, #tpu.memory_space<hbm>>) dst(%dma_wait3A_816 : memref<104x64xf32, #tpu.memory_space<vmem>>)
      %dma_wait3A_823 = arith.constant 0 : i32
      %dma_wait3A_824 = arith.constant 0 : i32
      %dma_wait3A_825 = arith.constant 0 : i32
      %dma_wait3A_826 = arith.constant 104 : i32
      %dma_wait3A_827 = arith.constant 0 : i32
      %dma_wait3A_828 = tpu.memref_slice %arg6[%dma_wait3A_824, %dma_wait3A_825, %dma_wait3A_826, %dma_wait3A_827] : memref<3x2x200x64xf32, #tpu.memory_space<vmem>> -> memref<1x1x96x64xf32, #tpu.memory_space<vmem>>
      %dma_wait3A_829 = tpu.memref_squeeze %dma_wait3A_828 : memref<1x1x96x64xf32, #tpu.memory_space<vmem>> -> memref<96x64xf32, #tpu.memory_space<vmem>>
      %dma_wait3A_830 = arith.constant 104 : i32
      %dma_wait3A_831 = tpu.memref_slice %arg5[%dma_wait3A_823, %dma_wait3A_830] : memref<128x200xi32, #tpu.memory_space<vmem>> -> memref<1x96xi32, #tpu.memory_space<vmem>>
      %dma_wait3A_832 = tpu.memref_squeeze %dma_wait3A_831 : memref<1x96xi32, #tpu.memory_space<vmem>> -> memref<96xi32, #tpu.memory_space<vmem>>
      %dma_wait3A_833 = arith.constant 0 : i32
      %dma_wait3A_834 = arith.constant 0 : i32
      %dma_wait3A_835 = tpu.memref_slice %arg3[%dma_wait3A_833, %dma_wait3A_834] : memref<1048576x64xf32, #tpu.memory_space<hbm>> -> memref<1048576x64xf32, #tpu.memory_space<hbm>>
      tpu.wait_indirect_dma semaphore(%arg7 : memref<!tpu.dma_semaphore, #tpu.memory_space<semaphore_mem>>) src(%dma_wait3A_835 : memref<1048576x64xf32, #tpu.memory_space<hbm>>) dst(%dma_wait3A_829 : memref<96x64xf32, #tpu.memory_space<vmem>>)
      %dma_wait3A_836 = arith.constant 1 : i32
      %dma_wait3A_837 = arith.constant 0 : i32
      %dma_wait3A_838 = arith.constant 1 : i32
      %dma_wait3A_839 = arith.constant 0 : i32
      %dma_wait3A_840 = arith.constant 0 : i32
      %dma_wait3A_841 = tpu.memref_slice %arg6[%dma_wait3A_837, %dma_wait3A_838, %dma_wait3A_839, %dma_wait3A_840] : memref<3x2x200x64xf32, #tpu.memory_space<vmem>> -> memref<1x1x104x64xf32, #tpu.memory_space<vmem>>
      %dma_wait3A_842 = tpu.memref_squeeze %dma_wait3A_841 : memref<1x1x104x64xf32, #tpu.memory_space<vmem>> -> memref<104x64xf32, #tpu.memory_space<vmem>>
      %dma_wait3A_843 = arith.constant 0 : i32
      %dma_wait3A_844 = tpu.memref_slice %arg5[%dma_wait3A_836, %dma_wait3A_843] : memref<128x200xi32, #tpu.memory_space<vmem>> -> memref<1x104xi32, #tpu.memory_space<vmem>>
      %dma_wait3A_845 = tpu.memref_squeeze %dma_wait3A_844 : memref<1x104xi32, #tpu.memory_space<vmem>> -> memref<104xi32, #tpu.memory_space<vmem>>
      %dma_wait3A_846 = arith.constant 0 : i32
      %dma_wait3A_847 = arith.constant 0 : i32
      %dma_wait3A_848 = tpu.memref_slice %arg3[%dma_wait3A_846, %dma_wait3A_847] : memref<1048576x64xf32, #tpu.memory_space<hbm>> -> memref<1048576x64xf32, #tpu.memory_space<hbm>>
      tpu.wait_indirect_dma semaphore(%arg7 : memref<!tpu.dma_semaphore, #tpu.memory_space<semaphore_mem>>) src(%dma_wait3A_848 : memref<1048576x64xf32, #tpu.memory_space<hbm>>) dst(%dma_wait3A_842 : memref<104x64xf32, #tpu.memory_space<vmem>>)
      %dma_wait3A_849 = arith.constant 1 : i32
      %dma_wait3A_850 = arith.constant 0 : i32
      %dma_wait3A_851 = arith.constant 1 : i32
      %dma_wait3A_852 = arith.constant 104 : i32
      %dma_wait3A_853 = arith.constant 0 : i32
      %dma_wait3A_854 = tpu.memref_slice %arg6[%dma_wait3A_850, %dma_wait3A_851, %dma_wait3A_852, %dma_wait3A_853] : memref<3x2x200x64xf32, #tpu.memory_space<vmem>> -> memref<1x1x96x64xf32, #tpu.memory_space<vmem>>
      %dma_wait3A_855 = tpu.memref_squeeze %dma_wait3A_854 : memref<1x1x96x64xf32, #tpu.memory_space<vmem>> -> memref<96x64xf32, #tpu.memory_space<vmem>>
      %dma_wait3A_856 = arith.constant 104 : i32
      %dma_wait3A_857 = tpu.memref_slice %arg5[%dma_wait3A_849, %dma_wait3A_856] : memref<128x200xi32, #tpu.memory_space<vmem>> -> memref<1x96xi32, #tpu.memory_space<vmem>>
      %dma_wait3A_858 = tpu.memref_squeeze %dma_wait3A_857 : memref<1x96xi32, #tpu.memory_space<vmem>> -> memref<96xi32, #tpu.memory_space<vmem>>
      %dma_wait3A_859 = arith.constant 0 : i32
      %dma_wait3A_860 = arith.constant 0 : i32
      %dma_wait3A_861 = tpu.memref_slice %arg3[%dma_wait3A_859, %dma_wait3A_860] : memref<1048576x64xf32, #tpu.memory_space<hbm>> -> memref<1048576x64xf32, #tpu.memory_space<hbm>>
      tpu.wait_indirect_dma semaphore(%arg7 : memref<!tpu.dma_semaphore, #tpu.memory_space<semaphore_mem>>) src(%dma_wait3A_861 : memref<1048576x64xf32, #tpu.memory_space<hbm>>) dst(%dma_wait3A_855 : memref<96x64xf32, #tpu.memory_space<vmem>>)
      %mul3A_862 = arith.constant 2 : i32
      %mul3A_863 = arith.muli %add3A_726, %mul3A_862 : i32
      %add3A_864 = arith.addi %mul3A_2, %mul3A_863 : i32
      %dma_start3A_865 = arith.constant 0 : i32
      %dma_start3A_866 = arith.constant 0 : i32
      %dma_start3A_867 = arith.constant 0 : i32
      %dma_start3A_868 = arith.constant 0 : i32
      %dma_start3A_869 = tpu.memref_slice %arg6[%dma_start3A_865, %dma_start3A_866, %dma_start3A_867, %dma_start3A_868] : memref<3x2x200x64xf32, #tpu.memory_space<vmem>> -> memref<1x2x200x64xf32, #tpu.memory_space<vmem>>
      %dma_start3A_870 = tpu.memref_squeeze %dma_start3A_869 : memref<1x2x200x64xf32, #tpu.memory_space<vmem>> -> memref<2x200x64xf32, #tpu.memory_space<vmem>>
      %dma_start3A_871 = arith.constant 0 : i32
      %dma_start3A_872 = arith.constant 0 : i32
      %dma_start3A_873 = tpu.memref_slice %arg4[%add3A_864, %dma_start3A_871, %dma_start3A_872] : memref<4096x200x128xf32, #tpu.memory_space<hbm>> -> memref<2x200x64xf32, #tpu.memory_space<hbm>>
      %dma_start3A_874 = arith.constant 0 : i32
      %dma_start3A_875 = arith.constant 0 : i32
      %dma_start3A_876 = tpu.memref_slice %arg4[%add3A_864, %dma_start3A_874, %dma_start3A_875] : memref<4096x200x128xf32, #tpu.memory_space<hbm>> -> memref<2x200x64xf32, #tpu.memory_space<hbm>>
      %dma_start3A_877 = arith.constant 0 : i32
      %dma_start3A_878 = arith.constant 0 : i32
      %dma_start3A_879 = arith.constant 0 : i32
      %dma_start3A_880 = tpu.memref_slice %arg6[%dma_start3A_865, %dma_start3A_877, %dma_start3A_878, %dma_start3A_879] : memref<3x2x200x64xf32, #tpu.memory_space<vmem>> -> memref<1x2x200x64xf32, #tpu.memory_space<vmem>>
      %dma_start3A_881 = tpu.memref_squeeze %dma_start3A_880 : memref<1x2x200x64xf32, #tpu.memory_space<vmem>> -> memref<2x200x64xf32, #tpu.memory_space<vmem>>
      tpu.enqueue_dma source(%dma_start3A_881 : memref<2x200x64xf32, #tpu.memory_space<vmem>>) target(%dma_start3A_876 : memref<2x200x64xf32, #tpu.memory_space<hbm>>) target_semaphore(%arg10 : memref<!tpu.dma_semaphore, #tpu.memory_space<semaphore_mem>>)
      %add3A_882 = arith.constant 2 : i32
      %add3A_883 = arith.addi %add3A_569, %add3A_882 : i32
      %dma_wait3A_884 = arith.constant 0 : i32
      %dma_wait3A_885 = arith.constant 0 : i32
      %dma_wait3A_886 = arith.constant 0 : i32
      %dma_wait3A_887 = arith.constant 0 : i32
      %dma_wait3A_888 = tpu.memref_slice %arg6[%dma_wait3A_884, %dma_wait3A_885, %dma_wait3A_886, %dma_wait3A_887] : memref<3x2x200x64xf32, #tpu.memory_space<vmem>> -> memref<1x2x200x64xf32, #tpu.memory_space<vmem>>
      %dma_wait3A_889 = tpu.memref_squeeze %dma_wait3A_888 : memref<1x2x200x64xf32, #tpu.memory_space<vmem>> -> memref<2x200x64xf32, #tpu.memory_space<vmem>>
      %dma_wait3A_890 = arith.constant 0 : i32
      %dma_wait3A_891 = arith.constant 0 : i32
      %dma_wait3A_892 = tpu.memref_slice %arg4[%mul3A_2, %dma_wait3A_890, %dma_wait3A_891] : memref<4096x200x128xf32, #tpu.memory_space<hbm>> -> memref<2x200x64xf32, #tpu.memory_space<hbm>>
      %dma_wait3A_893 = arith.constant 0 : i32
      %dma_wait3A_894 = arith.constant 0 : i32
      %dma_wait3A_895 = tpu.memref_slice %arg4[%mul3A_2, %dma_wait3A_893, %dma_wait3A_894] : memref<4096x200x128xf32, #tpu.memory_space<hbm>> -> memref<2x200x64xf32, #tpu.memory_space<hbm>>
      %dma_wait3A_896 = arith.constant 0 : i32
      %dma_wait3A_897 = arith.constant 0 : i32
      %dma_wait3A_898 = arith.constant 0 : i32
      %dma_wait3A_899 = tpu.memref_slice %arg6[%dma_wait3A_884, %dma_wait3A_896, %dma_wait3A_897, %dma_wait3A_898] : memref<3x2x200x64xf32, #tpu.memory_space<vmem>> -> memref<1x2x200x64xf32, #tpu.memory_space<vmem>>
      %dma_wait3A_900 = tpu.memref_squeeze %dma_wait3A_899 : memref<1x2x200x64xf32, #tpu.memory_space<vmem>> -> memref<2x200x64xf32, #tpu.memory_space<vmem>>
      tpu.wait_dma2 semaphore(%arg10 : memref<!tpu.dma_semaphore, #tpu.memory_space<semaphore_mem>>) src(%dma_wait3A_900 : memref<2x200x64xf32, #tpu.memory_space<vmem>>) dst(%dma_wait3A_895 : memref<2x200x64xf32, #tpu.memory_space<hbm>>)
      %add3A_901 = arith.constant 2 : i32
      %add3A_902 = arith.addi %add3A_883, %add3A_901 : i32
      %mul3A_903 = arith.constant 2 : i32
      %mul3A_904 = arith.muli %add3A_902, %mul3A_903 : i32
      %add3A_905 = arith.constant 0 : i32
      %add3A_906 = arith.addi %mul3A_904, %add3A_905 : i32
      %dma_start3A_907 = arith.constant 0 : i32
      %dma_start3A_908 = arith.constant 0 : i32
      %dma_start3A_909 = arith.constant 0 : i32
      %dma_start3A_910 = arith.constant 0 : i32
      %dma_start3A_911 = tpu.memref_slice %arg6[%dma_start3A_907, %dma_start3A_908, %dma_start3A_909, %dma_start3A_910] : memref<3x2x200x64xf32, #tpu.memory_space<vmem>> -> memref<1x1x104x64xf32, #tpu.memory_space<vmem>>
      %dma_start3A_912 = tpu.memref_squeeze %dma_start3A_911 : memref<1x1x104x64xf32, #tpu.memory_space<vmem>> -> memref<104x64xf32, #tpu.memory_space<vmem>>
      %dma_start3A_913 = arith.constant 0 : i32
      %dma_start3A_914 = tpu.memref_slice %arg5[%add3A_906, %dma_start3A_913] : memref<128x200xi32, #tpu.memory_space<vmem>> -> memref<1x104xi32, #tpu.memory_space<vmem>>
      %dma_start3A_915 = tpu.memref_squeeze %dma_start3A_914 : memref<1x104xi32, #tpu.memory_space<vmem>> -> memref<104xi32, #tpu.memory_space<vmem>>
      %dma_start3A_916 = arith.constant 0 : i32
      %dma_start3A_917 = arith.constant 0 : i32
      %dma_start3A_918 = tpu.memref_slice %arg3[%dma_start3A_916, %dma_start3A_917] : memref<1048576x64xf32, #tpu.memory_space<hbm>> -> memref<1048576x64xf32, #tpu.memory_space<hbm>>
      tpu.enqueue_indirect_dma source(%dma_start3A_918 : memref<1048576x64xf32, #tpu.memory_space<hbm>>) target(%dma_start3A_912 : memref<104x64xf32, #tpu.memory_space<vmem>>) offsets(%dma_start3A_915 : memref<104xi32, #tpu.memory_space<vmem>>) semaphore(%arg7 : memref<!tpu.dma_semaphore, #tpu.memory_space<semaphore_mem>>)
      %mul3A_919 = arith.constant 2 : i32
      %mul3A_920 = arith.muli %add3A_902, %mul3A_919 : i32
      %add3A_921 = arith.constant 0 : i32
      %add3A_922 = arith.addi %mul3A_920, %add3A_921 : i32
      %dma_start3A_923 = arith.constant 0 : i32
      %dma_start3A_924 = arith.constant 0 : i32
      %dma_start3A_925 = arith.constant 104 : i32
      %dma_start3A_926 = arith.constant 0 : i32
      %dma_start3A_927 = tpu.memref_slice %arg6[%dma_start3A_923, %dma_start3A_924, %dma_start3A_925, %dma_start3A_926] : memref<3x2x200x64xf32, #tpu.memory_space<vmem>> -> memref<1x1x96x64xf32, #tpu.memory_space<vmem>>
      %dma_start3A_928 = tpu.memref_squeeze %dma_start3A_927 : memref<1x1x96x64xf32, #tpu.memory_space<vmem>> -> memref<96x64xf32, #tpu.memory_space<vmem>>
      %dma_start3A_929 = arith.constant 104 : i32
      %dma_start3A_930 = tpu.memref_slice %arg5[%add3A_922, %dma_start3A_929] : memref<128x200xi32, #tpu.memory_space<vmem>> -> memref<1x96xi32, #tpu.memory_space<vmem>>
      %dma_start3A_931 = tpu.memref_squeeze %dma_start3A_930 : memref<1x96xi32, #tpu.memory_space<vmem>> -> memref<96xi32, #tpu.memory_space<vmem>>
      %dma_start3A_932 = arith.constant 0 : i32
      %dma_start3A_933 = arith.constant 0 : i32
      %dma_start3A_934 = tpu.memref_slice %arg3[%dma_start3A_932, %dma_start3A_933] : memref<1048576x64xf32, #tpu.memory_space<hbm>> -> memref<1048576x64xf32, #tpu.memory_space<hbm>>
      tpu.enqueue_indirect_dma source(%dma_start3A_934 : memref<1048576x64xf32, #tpu.memory_space<hbm>>) target(%dma_start3A_928 : memref<96x64xf32, #tpu.memory_space<vmem>>) offsets(%dma_start3A_931 : memref<96xi32, #tpu.memory_space<vmem>>) semaphore(%arg7 : memref<!tpu.dma_semaphore, #tpu.memory_space<semaphore_mem>>)
      %mul3A_935 = arith.constant 2 : i32
      %mul3A_936 = arith.muli %add3A_902, %mul3A_935 : i32
      %add3A_937 = arith.constant 1 : i32
      %add3A_938 = arith.addi %mul3A_936, %add3A_937 : i32
      %dma_start3A_939 = arith.constant 0 : i32
      %dma_start3A_940 = arith.constant 1 : i32
      %dma_start3A_941 = arith.constant 0 : i32
      %dma_start3A_942 = arith.constant 0 : i32
      %dma_start3A_943 = tpu.memref_slice %arg6[%dma_start3A_939, %dma_start3A_940, %dma_start3A_941, %dma_start3A_942] : memref<3x2x200x64xf32, #tpu.memory_space<vmem>> -> memref<1x1x104x64xf32, #tpu.memory_space<vmem>>
      %dma_start3A_944 = tpu.memref_squeeze %dma_start3A_943 : memref<1x1x104x64xf32, #tpu.memory_space<vmem>> -> memref<104x64xf32, #tpu.memory_space<vmem>>
      %dma_start3A_945 = arith.constant 0 : i32
      %dma_start3A_946 = tpu.memref_slice %arg5[%add3A_938, %dma_start3A_945] : memref<128x200xi32, #tpu.memory_space<vmem>> -> memref<1x104xi32, #tpu.memory_space<vmem>>
      %dma_start3A_947 = tpu.memref_squeeze %dma_start3A_946 : memref<1x104xi32, #tpu.memory_space<vmem>> -> memref<104xi32, #tpu.memory_space<vmem>>
      %dma_start3A_948 = arith.constant 0 : i32
      %dma_start3A_949 = arith.constant 0 : i32
      %dma_start3A_950 = tpu.memref_slice %arg3[%dma_start3A_948, %dma_start3A_949] : memref<1048576x64xf32, #tpu.memory_space<hbm>> -> memref<1048576x64xf32, #tpu.memory_space<hbm>>
      tpu.enqueue_indirect_dma source(%dma_start3A_950 : memref<1048576x64xf32, #tpu.memory_space<hbm>>) target(%dma_start3A_944 : memref<104x64xf32, #tpu.memory_space<vmem>>) offsets(%dma_start3A_947 : memref<104xi32, #tpu.memory_space<vmem>>) semaphore(%arg7 : memref<!tpu.dma_semaphore, #tpu.memory_space<semaphore_mem>>)
      %mul3A_951 = arith.constant 2 : i32
      %mul3A_952 = arith.muli %add3A_902, %mul3A_951 : i32
      %add3A_953 = arith.constant 1 : i32
      %add3A_954 = arith.addi %mul3A_952, %add3A_953 : i32
      %dma_start3A_955 = arith.constant 0 : i32
      %dma_start3A_956 = arith.constant 1 : i32
      %dma_start3A_957 = arith.constant 104 : i32
      %dma_start3A_958 = arith.constant 0 : i32
      %dma_start3A_959 = tpu.memref_slice %arg6[%dma_start3A_955, %dma_start3A_956, %dma_start3A_957, %dma_start3A_958] : memref<3x2x200x64xf32, #tpu.memory_space<vmem>> -> memref<1x1x96x64xf32, #tpu.memory_space<vmem>>
      %dma_start3A_960 = tpu.memref_squeeze %dma_start3A_959 : memref<1x1x96x64xf32, #tpu.memory_space<vmem>> -> memref<96x64xf32, #tpu.memory_space<vmem>>
      %dma_start3A_961 = arith.constant 104 : i32
      %dma_start3A_962 = tpu.memref_slice %arg5[%add3A_954, %dma_start3A_961] : memref<128x200xi32, #tpu.memory_space<vmem>> -> memref<1x96xi32, #tpu.memory_space<vmem>>
      %dma_start3A_963 = tpu.memref_squeeze %dma_start3A_962 : memref<1x96xi32, #tpu.memory_space<vmem>> -> memref<96xi32, #tpu.memory_space<vmem>>
      %dma_start3A_964 = arith.constant 0 : i32
      %dma_start3A_965 = arith.constant 0 : i32
      %dma_start3A_966 = tpu.memref_slice %arg3[%dma_start3A_964, %dma_start3A_965] : memref<1048576x64xf32, #tpu.memory_space<hbm>> -> memref<1048576x64xf32, #tpu.memory_space<hbm>>
      tpu.enqueue_indirect_dma source(%dma_start3A_966 : memref<1048576x64xf32, #tpu.memory_space<hbm>>) target(%dma_start3A_960 : memref<96x64xf32, #tpu.memory_space<vmem>>) offsets(%dma_start3A_963 : memref<96xi32, #tpu.memory_space<vmem>>) semaphore(%arg7 : memref<!tpu.dma_semaphore, #tpu.memory_space<semaphore_mem>>)
      %dma_wait3A_967 = arith.constant 0 : i32
      %dma_wait3A_968 = arith.constant 1 : i32
      %dma_wait3A_969 = arith.constant 0 : i32
      %dma_wait3A_970 = arith.constant 0 : i32
      %dma_wait3A_971 = arith.constant 0 : i32
      %dma_wait3A_972 = tpu.memref_slice %arg6[%dma_wait3A_968, %dma_wait3A_969, %dma_wait3A_970, %dma_wait3A_971] : memref<3x2x200x64xf32, #tpu.memory_space<vmem>> -> memref<1x1x104x64xf32, #tpu.memory_space<vmem>>
      %dma_wait3A_973 = tpu.memref_squeeze %dma_wait3A_972 : memref<1x1x104x64xf32, #tpu.memory_space<vmem>> -> memref<104x64xf32, #tpu.memory_space<vmem>>
      %dma_wait3A_974 = arith.constant 0 : i32
      %dma_wait3A_975 = tpu.memref_slice %arg5[%dma_wait3A_967, %dma_wait3A_974] : memref<128x200xi32, #tpu.memory_space<vmem>> -> memref<1x104xi32, #tpu.memory_space<vmem>>
      %dma_wait3A_976 = tpu.memref_squeeze %dma_wait3A_975 : memref<1x104xi32, #tpu.memory_space<vmem>> -> memref<104xi32, #tpu.memory_space<vmem>>
      %dma_wait3A_977 = arith.constant 0 : i32
      %dma_wait3A_978 = arith.constant 0 : i32
      %dma_wait3A_979 = tpu.memref_slice %arg3[%dma_wait3A_977, %dma_wait3A_978] : memref<1048576x64xf32, #tpu.memory_space<hbm>> -> memref<1048576x64xf32, #tpu.memory_space<hbm>>
      tpu.wait_indirect_dma semaphore(%arg8 : memref<!tpu.dma_semaphore, #tpu.memory_space<semaphore_mem>>) src(%dma_wait3A_979 : memref<1048576x64xf32, #tpu.memory_space<hbm>>) dst(%dma_wait3A_973 : memref<104x64xf32, #tpu.memory_space<vmem>>)
      %dma_wait3A_980 = arith.constant 0 : i32
      %dma_wait3A_981 = arith.constant 1 : i32
      %dma_wait3A_982 = arith.constant 0 : i32
      %dma_wait3A_983 = arith.constant 104 : i32
      %dma_wait3A_984 = arith.constant 0 : i32
      %dma_wait3A_985 = tpu.memref_slice %arg6[%dma_wait3A_981, %dma_wait3A_982, %dma_wait3A_983, %dma_wait3A_984] : memref<3x2x200x64xf32, #tpu.memory_space<vmem>> -> memref<1x1x96x64xf32, #tpu.memory_space<vmem>>
      %dma_wait3A_986 = tpu.memref_squeeze %dma_wait3A_985 : memref<1x1x96x64xf32, #tpu.memory_space<vmem>> -> memref<96x64xf32, #tpu.memory_space<vmem>>
      %dma_wait3A_987 = arith.constant 104 : i32
      %dma_wait3A_988 = tpu.memref_slice %arg5[%dma_wait3A_980, %dma_wait3A_987] : memref<128x200xi32, #tpu.memory_space<vmem>> -> memref<1x96xi32, #tpu.memory_space<vmem>>
      %dma_wait3A_989 = tpu.memref_squeeze %dma_wait3A_988 : memref<1x96xi32, #tpu.memory_space<vmem>> -> memref<96xi32, #tpu.memory_space<vmem>>
      %dma_wait3A_990 = arith.constant 0 : i32
      %dma_wait3A_991 = arith.constant 0 : i32
      %dma_wait3A_992 = tpu.memref_slice %arg3[%dma_wait3A_990, %dma_wait3A_991] : memref<1048576x64xf32, #tpu.memory_space<hbm>> -> memref<1048576x64xf32, #tpu.memory_space<hbm>>
      tpu.wait_indirect_dma semaphore(%arg8 : memref<!tpu.dma_semaphore, #tpu.memory_space<semaphore_mem>>) src(%dma_wait3A_992 : memref<1048576x64xf32, #tpu.memory_space<hbm>>) dst(%dma_wait3A_986 : memref<96x64xf32, #tpu.memory_space<vmem>>)
      %dma_wait3A_993 = arith.constant 1 : i32
      %dma_wait3A_994 = arith.constant 1 : i32
      %dma_wait3A_995 = arith.constant 1 : i32
      %dma_wait3A_996 = arith.constant 0 : i32
      %dma_wait3A_997 = arith.constant 0 : i32
      %dma_wait3A_998 = tpu.memref_slice %arg6[%dma_wait3A_994, %dma_wait3A_995, %dma_wait3A_996, %dma_wait3A_997] : memref<3x2x200x64xf32, #tpu.memory_space<vmem>> -> memref<1x1x104x64xf32, #tpu.memory_space<vmem>>
      %dma_wait3A_999 = tpu.memref_squeeze %dma_wait3A_998 : memref<1x1x104x64xf32, #tpu.memory_space<vmem>> -> memref<104x64xf32, #tpu.memory_space<vmem>>
      %dma_wait3A_1000 = arith.constant 0 : i32
      %dma_wait3A_1001 = tpu.memref_slice %arg5[%dma_wait3A_993, %dma_wait3A_1000] : memref<128x200xi32, #tpu.memory_space<vmem>> -> memref<1x104xi32, #tpu.memory_space<vmem>>
      %dma_wait3A_1002 = tpu.memref_squeeze %dma_wait3A_1001 : memref<1x104xi32, #tpu.memory_space<vmem>> -> memref<104xi32, #tpu.memory_space<vmem>>
      %dma_wait3A_1003 = arith.constant 0 : i32
      %dma_wait3A_1004 = arith.constant 0 : i32
      %dma_wait3A_1005 = tpu.memref_slice %arg3[%dma_wait3A_1003, %dma_wait3A_1004] : memref<1048576x64xf32, #tpu.memory_space<hbm>> -> memref<1048576x64xf32, #tpu.memory_space<hbm>>
      tpu.wait_indirect_dma semaphore(%arg8 : memref<!tpu.dma_semaphore, #tpu.memory_space<semaphore_mem>>) src(%dma_wait3A_1005 : memref<1048576x64xf32, #tpu.memory_space<hbm>>) dst(%dma_wait3A_999 : memref<104x64xf32, #tpu.memory_space<vmem>>)
      %dma_wait3A_1006 = arith.constant 1 : i32
      %dma_wait3A_1007 = arith.constant 1 : i32
      %dma_wait3A_1008 = arith.constant 1 : i32
      %dma_wait3A_1009 = arith.constant 104 : i32
      %dma_wait3A_1010 = arith.constant 0 : i32
      %dma_wait3A_1011 = tpu.memref_slice %arg6[%dma_wait3A_1007, %dma_wait3A_1008, %dma_wait3A_1009, %dma_wait3A_1010] : memref<3x2x200x64xf32, #tpu.memory_space<vmem>> -> memref<1x1x96x64xf32, #tpu.memory_space<vmem>>
      %dma_wait3A_1012 = tpu.memref_squeeze %dma_wait3A_1011 : memref<1x1x96x64xf32, #tpu.memory_space<vmem>> -> memref<96x64xf32, #tpu.memory_space<vmem>>
      %dma_wait3A_1013 = arith.constant 104 : i32
      %dma_wait3A_1014 = tpu.memref_slice %arg5[%dma_wait3A_1006, %dma_wait3A_1013] : memref<128x200xi32, #tpu.memory_space<vmem>> -> memref<1x96xi32, #tpu.memory_space<vmem>>
      %dma_wait3A_1015 = tpu.memref_squeeze %dma_wait3A_1014 : memref<1x96xi32, #tpu.memory_space<vmem>> -> memref<96xi32, #tpu.memory_space<vmem>>
      %dma_wait3A_1016 = arith.constant 0 : i32
      %dma_wait3A_1017 = arith.constant 0 : i32
      %dma_wait3A_1018 = tpu.memref_slice %arg3[%dma_wait3A_1016, %dma_wait3A_1017] : memref<1048576x64xf32, #tpu.memory_space<hbm>> -> memref<1048576x64xf32, #tpu.memory_space<hbm>>
      tpu.wait_indirect_dma semaphore(%arg8 : memref<!tpu.dma_semaphore, #tpu.memory_space<semaphore_mem>>) src(%dma_wait3A_1018 : memref<1048576x64xf32, #tpu.memory_space<hbm>>) dst(%dma_wait3A_1012 : memref<96x64xf32, #tpu.memory_space<vmem>>)
      %mul3A_1019 = arith.constant 2 : i32
      %mul3A_1020 = arith.muli %add3A_883, %mul3A_1019 : i32
      %add3A_1021 = arith.addi %mul3A_2, %mul3A_1020 : i32
      %dma_start3A_1022 = arith.constant 1 : i32
      %dma_start3A_1023 = arith.constant 0 : i32
      %dma_start3A_1024 = arith.constant 0 : i32
      %dma_start3A_1025 = arith.constant 0 : i32
      %dma_start3A_1026 = tpu.memref_slice %arg6[%dma_start3A_1022, %dma_start3A_1023, %dma_start3A_1024, %dma_start3A_1025] : memref<3x2x200x64xf32, #tpu.memory_space<vmem>> -> memref<1x2x200x64xf32, #tpu.memory_space<vmem>>
      %dma_start3A_1027 = tpu.memref_squeeze %dma_start3A_1026 : memref<1x2x200x64xf32, #tpu.memory_space<vmem>> -> memref<2x200x64xf32, #tpu.memory_space<vmem>>
      %dma_start3A_1028 = arith.constant 0 : i32
      %dma_start3A_1029 = arith.constant 0 : i32
      %dma_start3A_1030 = tpu.memref_slice %arg4[%add3A_1021, %dma_start3A_1028, %dma_start3A_1029] : memref<4096x200x128xf32, #tpu.memory_space<hbm>> -> memref<2x200x64xf32, #tpu.memory_space<hbm>>
      %dma_start3A_1031 = arith.constant 0 : i32
      %dma_start3A_1032 = arith.constant 0 : i32
      %dma_start3A_1033 = tpu.memref_slice %arg4[%add3A_1021, %dma_start3A_1031, %dma_start3A_1032] : memref<4096x200x128xf32, #tpu.memory_space<hbm>> -> memref<2x200x64xf32, #tpu.memory_space<hbm>>
      %dma_start3A_1034 = arith.constant 0 : i32
      %dma_start3A_1035 = arith.constant 0 : i32
      %dma_start3A_1036 = arith.constant 0 : i32
      %dma_start3A_1037 = tpu.memref_slice %arg6[%dma_start3A_1022, %dma_start3A_1034, %dma_start3A_1035, %dma_start3A_1036] : memref<3x2x200x64xf32, #tpu.memory_space<vmem>> -> memref<1x2x200x64xf32, #tpu.memory_space<vmem>>
      %dma_start3A_1038 = tpu.memref_squeeze %dma_start3A_1037 : memref<1x2x200x64xf32, #tpu.memory_space<vmem>> -> memref<2x200x64xf32, #tpu.memory_space<vmem>>
      tpu.enqueue_dma source(%dma_start3A_1038 : memref<2x200x64xf32, #tpu.memory_space<vmem>>) target(%dma_start3A_1033 : memref<2x200x64xf32, #tpu.memory_space<hbm>>) target_semaphore(%arg11 : memref<!tpu.dma_semaphore, #tpu.memory_space<semaphore_mem>>)
    }
    %scan3A_371 = arith.constant 20 : i32
    %dma_wait3A_372 = arith.constant 1 : i32
    %dma_wait3A_373 = arith.constant 0 : i32
    %dma_wait3A_374 = arith.constant 0 : i32
    %dma_wait3A_375 = arith.constant 0 : i32
    %dma_wait3A_376 = tpu.memref_slice %arg6[%dma_wait3A_372, %dma_wait3A_373, %dma_wait3A_374, %dma_wait3A_375] : memref<3x2x200x64xf32, #tpu.memory_space<vmem>> -> memref<1x2x200x64xf32, #tpu.memory_space<vmem>>
    %dma_wait3A_377 = tpu.memref_squeeze %dma_wait3A_376 : memref<1x2x200x64xf32, #tpu.memory_space<vmem>> -> memref<2x200x64xf32, #tpu.memory_space<vmem>>
    %dma_wait3A_378 = arith.constant 0 : i32
    %dma_wait3A_379 = arith.constant 0 : i32
    %dma_wait3A_380 = tpu.memref_slice %arg4[%mul3A_2, %dma_wait3A_378, %dma_wait3A_379] : memref<4096x200x128xf32, #tpu.memory_space<hbm>> -> memref<2x200x64xf32, #tpu.memory_space<hbm>>
    %dma_wait3A_381 = arith.constant 0 : i32
    %dma_wait3A_382 = arith.constant 0 : i32
    %dma_wait3A_383 = tpu.memref_slice %arg4[%mul3A_2, %dma_wait3A_381, %dma_wait3A_382] : memref<4096x200x128xf32, #tpu.memory_space<hbm>> -> memref<2x200x64xf32, #tpu.memory_space<hbm>>
    %dma_wait3A_384 = arith.constant 0 : i32
    %dma_wait3A_385 = arith.constant 0 : i32
    %dma_wait3A_386 = arith.constant 0 : i32
    %dma_wait3A_387 = tpu.memref_slice %arg6[%dma_wait3A_372, %dma_wait3A_384, %dma_wait3A_385, %dma_wait3A_386] : memref<3x2x200x64xf32, #tpu.memory_space<vmem>> -> memref<1x2x200x64xf32, #tpu.memory_space<vmem>>
    %dma_wait3A_388 = tpu.memref_squeeze %dma_wait3A_387 : memref<1x2x200x64xf32, #tpu.memory_space<vmem>> -> memref<2x200x64xf32, #tpu.memory_space<vmem>>
    tpu.wait_dma2 semaphore(%arg11 : memref<!tpu.dma_semaphore, #tpu.memory_space<semaphore_mem>>) src(%dma_wait3A_388 : memref<2x200x64xf32, #tpu.memory_space<vmem>>) dst(%dma_wait3A_383 : memref<2x200x64xf32, #tpu.memory_space<hbm>>)
    %dma_wait3A_389 = arith.constant 0 : i32
    %dma_wait3A_390 = arith.constant 2 : i32
    %dma_wait3A_391 = arith.constant 0 : i32
    %dma_wait3A_392 = arith.constant 0 : i32
    %dma_wait3A_393 = arith.constant 0 : i32
    %dma_wait3A_394 = tpu.memref_slice %arg6[%dma_wait3A_390, %dma_wait3A_391, %dma_wait3A_392, %dma_wait3A_393] : memref<3x2x200x64xf32, #tpu.memory_space<vmem>> -> memref<1x1x104x64xf32, #tpu.memory_space<vmem>>
    %dma_wait3A_395 = tpu.memref_squeeze %dma_wait3A_394 : memref<1x1x104x64xf32, #tpu.memory_space<vmem>> -> memref<104x64xf32, #tpu.memory_space<vmem>>
    %dma_wait3A_396 = arith.constant 0 : i32
    %dma_wait3A_397 = tpu.memref_slice %arg5[%dma_wait3A_389, %dma_wait3A_396] : memref<128x200xi32, #tpu.memory_space<vmem>> -> memref<1x104xi32, #tpu.memory_space<vmem>>
    %dma_wait3A_398 = tpu.memref_squeeze %dma_wait3A_397 : memref<1x104xi32, #tpu.memory_space<vmem>> -> memref<104xi32, #tpu.memory_space<vmem>>
    %dma_wait3A_399 = arith.constant 0 : i32
    %dma_wait3A_400 = arith.constant 0 : i32
    %dma_wait3A_401 = tpu.memref_slice %arg3[%dma_wait3A_399, %dma_wait3A_400] : memref<1048576x64xf32, #tpu.memory_space<hbm>> -> memref<1048576x64xf32, #tpu.memory_space<hbm>>
    tpu.wait_indirect_dma semaphore(%arg9 : memref<!tpu.dma_semaphore, #tpu.memory_space<semaphore_mem>>) src(%dma_wait3A_401 : memref<1048576x64xf32, #tpu.memory_space<hbm>>) dst(%dma_wait3A_395 : memref<104x64xf32, #tpu.memory_space<vmem>>)
    %dma_wait3A_402 = arith.constant 0 : i32
    %dma_wait3A_403 = arith.constant 2 : i32
    %dma_wait3A_404 = arith.constant 0 : i32
    %dma_wait3A_405 = arith.constant 104 : i32
    %dma_wait3A_406 = arith.constant 0 : i32
    %dma_wait3A_407 = tpu.memref_slice %arg6[%dma_wait3A_403, %dma_wait3A_404, %dma_wait3A_405, %dma_wait3A_406] : memref<3x2x200x64xf32, #tpu.memory_space<vmem>> -> memref<1x1x96x64xf32, #tpu.memory_space<vmem>>
    %dma_wait3A_408 = tpu.memref_squeeze %dma_wait3A_407 : memref<1x1x96x64xf32, #tpu.memory_space<vmem>> -> memref<96x64xf32, #tpu.memory_space<vmem>>
    %dma_wait3A_409 = arith.constant 104 : i32
    %dma_wait3A_410 = tpu.memref_slice %arg5[%dma_wait3A_402, %dma_wait3A_409] : memref<128x200xi32, #tpu.memory_space<vmem>> -> memref<1x96xi32, #tpu.memory_space<vmem>>
    %dma_wait3A_411 = tpu.memref_squeeze %dma_wait3A_410 : memref<1x96xi32, #tpu.memory_space<vmem>> -> memref<96xi32, #tpu.memory_space<vmem>>
    %dma_wait3A_412 = arith.constant 0 : i32
    %dma_wait3A_413 = arith.constant 0 : i32
    %dma_wait3A_414 = tpu.memref_slice %arg3[%dma_wait3A_412, %dma_wait3A_413] : memref<1048576x64xf32, #tpu.memory_space<hbm>> -> memref<1048576x64xf32, #tpu.memory_space<hbm>>
    tpu.wait_indirect_dma semaphore(%arg9 : memref<!tpu.dma_semaphore, #tpu.memory_space<semaphore_mem>>) src(%dma_wait3A_414 : memref<1048576x64xf32, #tpu.memory_space<hbm>>) dst(%dma_wait3A_408 : memref<96x64xf32, #tpu.memory_space<vmem>>)
    %dma_wait3A_415 = arith.constant 1 : i32
    %dma_wait3A_416 = arith.constant 2 : i32
    %dma_wait3A_417 = arith.constant 1 : i32
    %dma_wait3A_418 = arith.constant 0 : i32
    %dma_wait3A_419 = arith.constant 0 : i32
    %dma_wait3A_420 = tpu.memref_slice %arg6[%dma_wait3A_416, %dma_wait3A_417, %dma_wait3A_418, %dma_wait3A_419] : memref<3x2x200x64xf32, #tpu.memory_space<vmem>> -> memref<1x1x104x64xf32, #tpu.memory_space<vmem>>
    %dma_wait3A_421 = tpu.memref_squeeze %dma_wait3A_420 : memref<1x1x104x64xf32, #tpu.memory_space<vmem>> -> memref<104x64xf32, #tpu.memory_space<vmem>>
    %dma_wait3A_422 = arith.constant 0 : i32
    %dma_wait3A_423 = tpu.memref_slice %arg5[%dma_wait3A_415, %dma_wait3A_422] : memref<128x200xi32, #tpu.memory_space<vmem>> -> memref<1x104xi32, #tpu.memory_space<vmem>>
    %dma_wait3A_424 = tpu.memref_squeeze %dma_wait3A_423 : memref<1x104xi32, #tpu.memory_space<vmem>> -> memref<104xi32, #tpu.memory_space<vmem>>
    %dma_wait3A_425 = arith.constant 0 : i32
    %dma_wait3A_426 = arith.constant 0 : i32
    %dma_wait3A_427 = tpu.memref_slice %arg3[%dma_wait3A_425, %dma_wait3A_426] : memref<1048576x64xf32, #tpu.memory_space<hbm>> -> memref<1048576x64xf32, #tpu.memory_space<hbm>>
    tpu.wait_indirect_dma semaphore(%arg9 : memref<!tpu.dma_semaphore, #tpu.memory_space<semaphore_mem>>) src(%dma_wait3A_427 : memref<1048576x64xf32, #tpu.memory_space<hbm>>) dst(%dma_wait3A_421 : memref<104x64xf32, #tpu.memory_space<vmem>>)
    %dma_wait3A_428 = arith.constant 1 : i32
    %dma_wait3A_429 = arith.constant 2 : i32
    %dma_wait3A_430 = arith.constant 1 : i32
    %dma_wait3A_431 = arith.constant 104 : i32
    %dma_wait3A_432 = arith.constant 0 : i32
    %dma_wait3A_433 = tpu.memref_slice %arg6[%dma_wait3A_429, %dma_wait3A_430, %dma_wait3A_431, %dma_wait3A_432] : memref<3x2x200x64xf32, #tpu.memory_space<vmem>> -> memref<1x1x96x64xf32, #tpu.memory_space<vmem>>
    %dma_wait3A_434 = tpu.memref_squeeze %dma_wait3A_433 : memref<1x1x96x64xf32, #tpu.memory_space<vmem>> -> memref<96x64xf32, #tpu.memory_space<vmem>>
    %dma_wait3A_435 = arith.constant 104 : i32
    %dma_wait3A_436 = tpu.memref_slice %arg5[%dma_wait3A_428, %dma_wait3A_435] : memref<128x200xi32, #tpu.memory_space<vmem>> -> memref<1x96xi32, #tpu.memory_space<vmem>>
    %dma_wait3A_437 = tpu.memref_squeeze %dma_wait3A_436 : memref<1x96xi32, #tpu.memory_space<vmem>> -> memref<96xi32, #tpu.memory_space<vmem>>
    %dma_wait3A_438 = arith.constant 0 : i32
    %dma_wait3A_439 = arith.constant 0 : i32
    %dma_wait3A_440 = tpu.memref_slice %arg3[%dma_wait3A_438, %dma_wait3A_439] : memref<1048576x64xf32, #tpu.memory_space<hbm>> -> memref<1048576x64xf32, #tpu.memory_space<hbm>>
    tpu.wait_indirect_dma semaphore(%arg9 : memref<!tpu.dma_semaphore, #tpu.memory_space<semaphore_mem>>) src(%dma_wait3A_440 : memref<1048576x64xf32, #tpu.memory_space<hbm>>) dst(%dma_wait3A_434 : memref<96x64xf32, #tpu.memory_space<vmem>>)
    %add3A_441 = arith.constant 124 : i32
    %add3A_442 = arith.addi %mul3A_2, %add3A_441 : i32
    %dma_start3A_443 = arith.constant 2 : i32
    %dma_start3A_444 = arith.constant 0 : i32
    %dma_start3A_445 = arith.constant 0 : i32
    %dma_start3A_446 = arith.constant 0 : i32
    %dma_start3A_447 = tpu.memref_slice %arg6[%dma_start3A_443, %dma_start3A_444, %dma_start3A_445, %dma_start3A_446] : memref<3x2x200x64xf32, #tpu.memory_space<vmem>> -> memref<1x2x200x64xf32, #tpu.memory_space<vmem>>
    %dma_start3A_448 = tpu.memref_squeeze %dma_start3A_447 : memref<1x2x200x64xf32, #tpu.memory_space<vmem>> -> memref<2x200x64xf32, #tpu.memory_space<vmem>>
    %dma_start3A_449 = arith.constant 0 : i32
    %dma_start3A_450 = arith.constant 0 : i32
    %dma_start3A_451 = tpu.memref_slice %arg4[%add3A_442, %dma_start3A_449, %dma_start3A_450] : memref<4096x200x128xf32, #tpu.memory_space<hbm>> -> memref<2x200x64xf32, #tpu.memory_space<hbm>>
    %dma_start3A_452 = arith.constant 0 : i32
    %dma_start3A_453 = arith.constant 0 : i32
    %dma_start3A_454 = tpu.memref_slice %arg4[%add3A_442, %dma_start3A_452, %dma_start3A_453] : memref<4096x200x128xf32, #tpu.memory_space<hbm>> -> memref<2x200x64xf32, #tpu.memory_space<hbm>>
    %dma_start3A_455 = arith.constant 0 : i32
    %dma_start3A_456 = arith.constant 0 : i32
    %dma_start3A_457 = arith.constant 0 : i32
    %dma_start3A_458 = tpu.memref_slice %arg6[%dma_start3A_443, %dma_start3A_455, %dma_start3A_456, %dma_start3A_457] : memref<3x2x200x64xf32, #tpu.memory_space<vmem>> -> memref<1x2x200x64xf32, #tpu.memory_space<vmem>>
    %dma_start3A_459 = tpu.memref_squeeze %dma_start3A_458 : memref<1x2x200x64xf32, #tpu.memory_space<vmem>> -> memref<2x200x64xf32, #tpu.memory_space<vmem>>
    tpu.enqueue_dma source(%dma_start3A_459 : memref<2x200x64xf32, #tpu.memory_space<vmem>>) target(%dma_start3A_454 : memref<2x200x64xf32, #tpu.memory_space<hbm>>) target_semaphore(%arg12 : memref<!tpu.dma_semaphore, #tpu.memory_space<semaphore_mem>>)
    %dma_wait3A_460 = arith.constant 0 : i32
    %dma_wait3A_461 = arith.constant 0 : i32
    %dma_wait3A_462 = arith.constant 0 : i32
    %dma_wait3A_463 = arith.constant 0 : i32
    %dma_wait3A_464 = arith.constant 0 : i32
    %dma_wait3A_465 = tpu.memref_slice %arg6[%dma_wait3A_461, %dma_wait3A_462, %dma_wait3A_463, %dma_wait3A_464] : memref<3x2x200x64xf32, #tpu.memory_space<vmem>> -> memref<1x1x104x64xf32, #tpu.memory_space<vmem>>
    %dma_wait3A_466 = tpu.memref_squeeze %dma_wait3A_465 : memref<1x1x104x64xf32, #tpu.memory_space<vmem>> -> memref<104x64xf32, #tpu.memory_space<vmem>>
    %dma_wait3A_467 = arith.constant 0 : i32
    %dma_wait3A_468 = tpu.memref_slice %arg5[%dma_wait3A_460, %dma_wait3A_467] : memref<128x200xi32, #tpu.memory_space<vmem>> -> memref<1x104xi32, #tpu.memory_space<vmem>>
    %dma_wait3A_469 = tpu.memref_squeeze %dma_wait3A_468 : memref<1x104xi32, #tpu.memory_space<vmem>> -> memref<104xi32, #tpu.memory_space<vmem>>
    %dma_wait3A_470 = arith.constant 0 : i32
    %dma_wait3A_471 = arith.constant 0 : i32
    %dma_wait3A_472 = tpu.memref_slice %arg3[%dma_wait3A_470, %dma_wait3A_471] : memref<1048576x64xf32, #tpu.memory_space<hbm>> -> memref<1048576x64xf32, #tpu.memory_space<hbm>>
    tpu.wait_indirect_dma semaphore(%arg7 : memref<!tpu.dma_semaphore, #tpu.memory_space<semaphore_mem>>) src(%dma_wait3A_472 : memref<1048576x64xf32, #tpu.memory_space<hbm>>) dst(%dma_wait3A_466 : memref<104x64xf32, #tpu.memory_space<vmem>>)
    %dma_wait3A_473 = arith.constant 0 : i32
    %dma_wait3A_474 = arith.constant 0 : i32
    %dma_wait3A_475 = arith.constant 0 : i32
    %dma_wait3A_476 = arith.constant 104 : i32
    %dma_wait3A_477 = arith.constant 0 : i32
    %dma_wait3A_478 = tpu.memref_slice %arg6[%dma_wait3A_474, %dma_wait3A_475, %dma_wait3A_476, %dma_wait3A_477] : memref<3x2x200x64xf32, #tpu.memory_space<vmem>> -> memref<1x1x96x64xf32, #tpu.memory_space<vmem>>
    %dma_wait3A_479 = tpu.memref_squeeze %dma_wait3A_478 : memref<1x1x96x64xf32, #tpu.memory_space<vmem>> -> memref<96x64xf32, #tpu.memory_space<vmem>>
    %dma_wait3A_480 = arith.constant 104 : i32
    %dma_wait3A_481 = tpu.memref_slice %arg5[%dma_wait3A_473, %dma_wait3A_480] : memref<128x200xi32, #tpu.memory_space<vmem>> -> memref<1x96xi32, #tpu.memory_space<vmem>>
    %dma_wait3A_482 = tpu.memref_squeeze %dma_wait3A_481 : memref<1x96xi32, #tpu.memory_space<vmem>> -> memref<96xi32, #tpu.memory_space<vmem>>
    %dma_wait3A_483 = arith.constant 0 : i32
    %dma_wait3A_484 = arith.constant 0 : i32
    %dma_wait3A_485 = tpu.memref_slice %arg3[%dma_wait3A_483, %dma_wait3A_484] : memref<1048576x64xf32, #tpu.memory_space<hbm>> -> memref<1048576x64xf32, #tpu.memory_space<hbm>>
    tpu.wait_indirect_dma semaphore(%arg7 : memref<!tpu.dma_semaphore, #tpu.memory_space<semaphore_mem>>) src(%dma_wait3A_485 : memref<1048576x64xf32, #tpu.memory_space<hbm>>) dst(%dma_wait3A_479 : memref<96x64xf32, #tpu.memory_space<vmem>>)
    %dma_wait3A_486 = arith.constant 1 : i32
    %dma_wait3A_487 = arith.constant 0 : i32
    %dma_wait3A_488 = arith.constant 1 : i32
    %dma_wait3A_489 = arith.constant 0 : i32
    %dma_wait3A_490 = arith.constant 0 : i32
    %dma_wait3A_491 = tpu.memref_slice %arg6[%dma_wait3A_487, %dma_wait3A_488, %dma_wait3A_489, %dma_wait3A_490] : memref<3x2x200x64xf32, #tpu.memory_space<vmem>> -> memref<1x1x104x64xf32, #tpu.memory_space<vmem>>
    %dma_wait3A_492 = tpu.memref_squeeze %dma_wait3A_491 : memref<1x1x104x64xf32, #tpu.memory_space<vmem>> -> memref<104x64xf32, #tpu.memory_space<vmem>>
    %dma_wait3A_493 = arith.constant 0 : i32
    %dma_wait3A_494 = tpu.memref_slice %arg5[%dma_wait3A_486, %dma_wait3A_493] : memref<128x200xi32, #tpu.memory_space<vmem>> -> memref<1x104xi32, #tpu.memory_space<vmem>>
    %dma_wait3A_495 = tpu.memref_squeeze %dma_wait3A_494 : memref<1x104xi32, #tpu.memory_space<vmem>> -> memref<104xi32, #tpu.memory_space<vmem>>
    %dma_wait3A_496 = arith.constant 0 : i32
    %dma_wait3A_497 = arith.constant 0 : i32
    %dma_wait3A_498 = tpu.memref_slice %arg3[%dma_wait3A_496, %dma_wait3A_497] : memref<1048576x64xf32, #tpu.memory_space<hbm>> -> memref<1048576x64xf32, #tpu.memory_space<hbm>>
    tpu.wait_indirect_dma semaphore(%arg7 : memref<!tpu.dma_semaphore, #tpu.memory_space<semaphore_mem>>) src(%dma_wait3A_498 : memref<1048576x64xf32, #tpu.memory_space<hbm>>) dst(%dma_wait3A_492 : memref<104x64xf32, #tpu.memory_space<vmem>>)
    %dma_wait3A_499 = arith.constant 1 : i32
    %dma_wait3A_500 = arith.constant 0 : i32
    %dma_wait3A_501 = arith.constant 1 : i32
    %dma_wait3A_502 = arith.constant 104 : i32
    %dma_wait3A_503 = arith.constant 0 : i32
    %dma_wait3A_504 = tpu.memref_slice %arg6[%dma_wait3A_500, %dma_wait3A_501, %dma_wait3A_502, %dma_wait3A_503] : memref<3x2x200x64xf32, #tpu.memory_space<vmem>> -> memref<1x1x96x64xf32, #tpu.memory_space<vmem>>
    %dma_wait3A_505 = tpu.memref_squeeze %dma_wait3A_504 : memref<1x1x96x64xf32, #tpu.memory_space<vmem>> -> memref<96x64xf32, #tpu.memory_space<vmem>>
    %dma_wait3A_506 = arith.constant 104 : i32
    %dma_wait3A_507 = tpu.memref_slice %arg5[%dma_wait3A_499, %dma_wait3A_506] : memref<128x200xi32, #tpu.memory_space<vmem>> -> memref<1x96xi32, #tpu.memory_space<vmem>>
    %dma_wait3A_508 = tpu.memref_squeeze %dma_wait3A_507 : memref<1x96xi32, #tpu.memory_space<vmem>> -> memref<96xi32, #tpu.memory_space<vmem>>
    %dma_wait3A_509 = arith.constant 0 : i32
    %dma_wait3A_510 = arith.constant 0 : i32
    %dma_wait3A_511 = tpu.memref_slice %arg3[%dma_wait3A_509, %dma_wait3A_510] : memref<1048576x64xf32, #tpu.memory_space<hbm>> -> memref<1048576x64xf32, #tpu.memory_space<hbm>>
    tpu.wait_indirect_dma semaphore(%arg7 : memref<!tpu.dma_semaphore, #tpu.memory_space<semaphore_mem>>) src(%dma_wait3A_511 : memref<1048576x64xf32, #tpu.memory_space<hbm>>) dst(%dma_wait3A_505 : memref<96x64xf32, #tpu.memory_space<vmem>>)
    %add3A_512 = arith.constant 126 : i32
    %add3A_513 = arith.addi %mul3A_2, %add3A_512 : i32
    %dma_start3A_514 = arith.constant 0 : i32
    %dma_start3A_515 = arith.constant 0 : i32
    %dma_start3A_516 = arith.constant 0 : i32
    %dma_start3A_517 = arith.constant 0 : i32
    %dma_start3A_518 = tpu.memref_slice %arg6[%dma_start3A_514, %dma_start3A_515, %dma_start3A_516, %dma_start3A_517] : memref<3x2x200x64xf32, #tpu.memory_space<vmem>> -> memref<1x2x200x64xf32, #tpu.memory_space<vmem>>
    %dma_start3A_519 = tpu.memref_squeeze %dma_start3A_518 : memref<1x2x200x64xf32, #tpu.memory_space<vmem>> -> memref<2x200x64xf32, #tpu.memory_space<vmem>>
    %dma_start3A_520 = arith.constant 0 : i32
    %dma_start3A_521 = arith.constant 0 : i32
    %dma_start3A_522 = tpu.memref_slice %arg4[%add3A_513, %dma_start3A_520, %dma_start3A_521] : memref<4096x200x128xf32, #tpu.memory_space<hbm>> -> memref<2x200x64xf32, #tpu.memory_space<hbm>>
    %dma_start3A_523 = arith.constant 0 : i32
    %dma_start3A_524 = arith.constant 0 : i32
    %dma_start3A_525 = tpu.memref_slice %arg4[%add3A_513, %dma_start3A_523, %dma_start3A_524] : memref<4096x200x128xf32, #tpu.memory_space<hbm>> -> memref<2x200x64xf32, #tpu.memory_space<hbm>>
    %dma_start3A_526 = arith.constant 0 : i32
    %dma_start3A_527 = arith.constant 0 : i32
    %dma_start3A_528 = arith.constant 0 : i32
    %dma_start3A_529 = tpu.memref_slice %arg6[%dma_start3A_514, %dma_start3A_526, %dma_start3A_527, %dma_start3A_528] : memref<3x2x200x64xf32, #tpu.memory_space<vmem>> -> memref<1x2x200x64xf32, #tpu.memory_space<vmem>>
    %dma_start3A_530 = tpu.memref_squeeze %dma_start3A_529 : memref<1x2x200x64xf32, #tpu.memory_space<vmem>> -> memref<2x200x64xf32, #tpu.memory_space<vmem>>
    tpu.enqueue_dma source(%dma_start3A_530 : memref<2x200x64xf32, #tpu.memory_space<vmem>>) target(%dma_start3A_525 : memref<2x200x64xf32, #tpu.memory_space<hbm>>) target_semaphore(%arg10 : memref<!tpu.dma_semaphore, #tpu.memory_space<semaphore_mem>>)
    %dma_wait3A_531 = arith.constant 2 : i32
    %dma_wait3A_532 = arith.constant 0 : i32
    %dma_wait3A_533 = arith.constant 0 : i32
    %dma_wait3A_534 = arith.constant 0 : i32
    %dma_wait3A_535 = tpu.memref_slice %arg6[%dma_wait3A_531, %dma_wait3A_532, %dma_wait3A_533, %dma_wait3A_534] : memref<3x2x200x64xf32, #tpu.memory_space<vmem>> -> memref<1x2x200x64xf32, #tpu.memory_space<vmem>>
    %dma_wait3A_536 = tpu.memref_squeeze %dma_wait3A_535 : memref<1x2x200x64xf32, #tpu.memory_space<vmem>> -> memref<2x200x64xf32, #tpu.memory_space<vmem>>
    %dma_wait3A_537 = arith.constant 0 : i32
    %dma_wait3A_538 = arith.constant 0 : i32
    %dma_wait3A_539 = tpu.memref_slice %arg4[%mul3A_2, %dma_wait3A_537, %dma_wait3A_538] : memref<4096x200x128xf32, #tpu.memory_space<hbm>> -> memref<2x200x64xf32, #tpu.memory_space<hbm>>
    %dma_wait3A_540 = arith.constant 0 : i32
    %dma_wait3A_541 = arith.constant 0 : i32
    %dma_wait3A_542 = tpu.memref_slice %arg4[%mul3A_2, %dma_wait3A_540, %dma_wait3A_541] : memref<4096x200x128xf32, #tpu.memory_space<hbm>> -> memref<2x200x64xf32, #tpu.memory_space<hbm>>
    %dma_wait3A_543 = arith.constant 0 : i32
    %dma_wait3A_544 = arith.constant 0 : i32
    %dma_wait3A_545 = arith.constant 0 : i32
    %dma_wait3A_546 = tpu.memref_slice %arg6[%dma_wait3A_531, %dma_wait3A_543, %dma_wait3A_544, %dma_wait3A_545] : memref<3x2x200x64xf32, #tpu.memory_space<vmem>> -> memref<1x2x200x64xf32, #tpu.memory_space<vmem>>
    %dma_wait3A_547 = tpu.memref_squeeze %dma_wait3A_546 : memref<1x2x200x64xf32, #tpu.memory_space<vmem>> -> memref<2x200x64xf32, #tpu.memory_space<vmem>>
    tpu.wait_dma2 semaphore(%arg12 : memref<!tpu.dma_semaphore, #tpu.memory_space<semaphore_mem>>) src(%dma_wait3A_547 : memref<2x200x64xf32, #tpu.memory_space<vmem>>) dst(%dma_wait3A_542 : memref<2x200x64xf32, #tpu.memory_space<hbm>>)
    %dma_wait3A_548 = arith.constant 0 : i32
    %dma_wait3A_549 = arith.constant 0 : i32
    %dma_wait3A_550 = arith.constant 0 : i32
    %dma_wait3A_551 = arith.constant 0 : i32
    %dma_wait3A_552 = tpu.memref_slice %arg6[%dma_wait3A_548, %dma_wait3A_549, %dma_wait3A_550, %dma_wait3A_551] : memref<3x2x200x64xf32, #tpu.memory_space<vmem>> -> memref<1x2x200x64xf32, #tpu.memory_space<vmem>>
    %dma_wait3A_553 = tpu.memref_squeeze %dma_wait3A_552 : memref<1x2x200x64xf32, #tpu.memory_space<vmem>> -> memref<2x200x64xf32, #tpu.memory_space<vmem>>
    %dma_wait3A_554 = arith.constant 0 : i32
    %dma_wait3A_555 = arith.constant 0 : i32
    %dma_wait3A_556 = tpu.memref_slice %arg4[%mul3A_2, %dma_wait3A_554, %dma_wait3A_555] : memref<4096x200x128xf32, #tpu.memory_space<hbm>> -> memref<2x200x64xf32, #tpu.memory_space<hbm>>
    %dma_wait3A_557 = arith.constant 0 : i32
    %dma_wait3A_558 = arith.constant 0 : i32
    %dma_wait3A_559 = tpu.memref_slice %arg4[%mul3A_2, %dma_wait3A_557, %dma_wait3A_558] : memref<4096x200x128xf32, #tpu.memory_space<hbm>> -> memref<2x200x64xf32, #tpu.memory_space<hbm>>
    %dma_wait3A_560 = arith.constant 0 : i32
    %dma_wait3A_561 = arith.constant 0 : i32
    %dma_wait3A_562 = arith.constant 0 : i32
    %dma_wait3A_563 = tpu.memref_slice %arg6[%dma_wait3A_548, %dma_wait3A_560, %dma_wait3A_561, %dma_wait3A_562] : memref<3x2x200x64xf32, #tpu.memory_space<vmem>> -> memref<1x2x200x64xf32, #tpu.memory_space<vmem>>
    %dma_wait3A_564 = tpu.memref_squeeze %dma_wait3A_563 : memref<1x2x200x64xf32, #tpu.memory_space<vmem>> -> memref<2x200x64xf32, #tpu.memory_space<vmem>>
    tpu.wait_dma2 semaphore(%arg10 : memref<!tpu.dma_semaphore, #tpu.memory_space<semaphore_mem>>) src(%dma_wait3A_564 : memref<2x200x64xf32, #tpu.memory_space<vmem>>) dst(%dma_wait3A_559 : memref<2x200x64xf32, #tpu.memory_space<hbm>>)
    return
  }
}

module attributes {stable_mosaic.version = 14 : i64} {
  func.func @_repack_body(%arg0: i32, %arg1: memref<64x16384xf32, #tpu.memory_space<vmem>>, %arg2: memref<64x16384xf32, #tpu.memory_space<vmem>>, %arg3: memref<16384x128xf32, #tpu.memory_space<vmem>>) attributes {dimension_semantics = [#tpu.dimension_semantics<arbitrary>], iteration_bounds = array<i64: 32>, scalar_prefetch = 0 : i64, scratch_operands = 0 : i64, tpu.core_type = #tpu.core_type<tc>, window_params = [{transform_indices = @transform_0, window_bounds = array<i64: 64, 16384>}, {transform_indices = @transform_1, window_bounds = array<i64: 64, 16384>}, {transform_indices = @transform_2, window_bounds = array<i64: 16384, 128>}]} {
    %get3A = arith.constant 0 : index
    %get3A_0 = arith.constant 0 : index
    %get3A_1 = vector.load %arg1[%get3A, %get3A_0] : memref<64x16384xf32, #tpu.memory_space<vmem>>, vector<64x16384xf32>
    %transpose3A = tpu.transpose %get3A_1, [1, 0] : vector<64x16384xf32> -> vector<16384x64xf32>
    %get3A_2 = arith.constant 0 : index
    %get3A_3 = arith.constant 0 : index
    %get3A_4 = vector.load %arg2[%get3A_2, %get3A_3] : memref<64x16384xf32, #tpu.memory_space<vmem>>, vector<64x16384xf32>
    %transpose3A_5 = tpu.transpose %get3A_4, [1, 0] : vector<64x16384xf32> -> vector<16384x64xf32>
    %concatenate3A = tpu.concatenate %transpose3A, %transpose3A_5 in 1 : vector<16384x64xf32>, vector<16384x64xf32> -> vector<16384x128xf32>
    %swap3A = arith.constant 0 : index
    %swap3A_6 = arith.constant 0 : index
    %swap3A_7 = vector.load %arg3[%swap3A, %swap3A_6] : memref<16384x128xf32, #tpu.memory_space<vmem>>, vector<16384x128xf32>
    tpu.vector_store %arg3[%swap3A, %swap3A_6], %concatenate3A {strides = array<i32>} : memref<16384x128xf32, #tpu.memory_space<vmem>>, vector<16384x128xf32>,
    return
  }
  func.func @transform_0(%arg0: i32) -> (i32, i32) {
    %c0_i32 = arith.constant 0 : i32
    %c0_i32_0 = arith.constant 0 : i32
    return %c0_i32, %arg0 : i32, i32
  }
  func.func @transform_1(%arg0: i32) -> (i32, i32) {
    %add3A = arith.constant 32 : i32
    %add3A_0 = arith.addi %arg0, %add3A : i32
    %min3A = arith.constant 61 : i32
    %min3A_1 = arith.minsi %add3A_0, %min3A : i32
    %c0_i32 = arith.constant 0 : i32
    %c0_i32_2 = arith.constant 0 : i32
    return %c0_i32, %min3A_1 : i32, i32
  }
  func.func @transform_2(%arg0: i32) -> (i32, i32) {
    %c0_i32 = arith.constant 0 : i32
    %c0_i32_0 = arith.constant 0 : i32
    return %arg0, %c0_i32 : i32, i32
  }
}

</mosaic_0001>

<sc_bundles>
// kernel: kernel.4.cloned.1.call-start
scs
__scs_entry_jumppad:
0x0: {  	(pc) =	sbr.rel $0x88, $3  }
0x1: {  	(tag) =	ssettag $0x0;
	lr =	simm.s32 $0x1  }
0x2: {  	[smem:$0x3F9F] =	sst lr;
	_ =	strace $0xD0000000  }
0x3: {  	_ = 	snop  }
0x4: {  	_ = 	snop  }
0x5: {  	_ = 	snop  }
0x6: {  	_ = 	snop  }
0x7: {  	_ = 	snop  }
__scs_overlays_trampoline_lowered:
0x8: {  	[smem:$0x3FAE] =	sst s0  }
0x9: {  	[smem:$0x3FAF] =	sst s1  }
0xa: {  	[smem:$0x3FB0] =	sst s2  }
0xb: {  	[smem:$0x3FB1] =	sst s3  }
0xc: {  	[smem:$0x3FB2] =	sst s4  }
0xd: {  	[smem:$0x3FB3] =	sst s5  }
0xe: {  	[smem:$0x3FB4] =	sst s6  }
0xf: {  	[smem:$0x3FB5] =	sst s7  }
0x10: {  	[smem:$0x3FB6] =	sst s8  }
0x11: {  	[smem:$0x3FB7] =	sst s9;
	s0 =	simm.s32 @!p0 $0x0  }
0x12: {  	s1 =	sld [smem:$0x3F9D];
	s0 =	simm.s32 @p0 $0x1  }
0x13: {  	[smem:$0x3FB8] =	sst s0;
	s0 =	simm.s32 @!p1 $0x0  }
0x14: {  	s2 =	sld [smem:$0x3F9C];
	s0 =	simm.s32 @p1 $0x1  }
0x15: {  	[smem:$0x3FB9] =	sst s0;
	s0 =	simm.s32 @!p2 $0x0  }
0x16: {  	s3 =	sld [smem:$0x3FDB];
	s0 =	simm.s32 @p2 $0x1  }
0x17: {  	s4 =	simm.s32 $0x1BF5;
	[smem:$0x3FBB] =	sst s0  }
0x18: {  	s0 =	sld [smem:$0x3F9E];
	_ =	swait.ge [sflag:s4], $0x0  }
0x19: {  	s7 =	sld [smem:$0x3F9F]  }
0x1a: {  	s8 =	sadd.s32 $0xFFFFE003, lr  }
0x1b: {  	s9 =	sadd.s32 $0xFFFFFEF7, lr;
	s5 =	simm.s32 $0xFFFFFFFF;
	p2 =	slt.u32 s8, $0xFFFFF086  }
0x1c: {  	p1 =	slt.u32 s9, $0xF7A;
	s5 =	simm.s32 @!p2 $0x0  }
0x1d: {  	s5 =	simm.s32 @p1 $0x1;
	p0 =	seq.s32 s7, s2  }
0x1e: {  	s7 =	smul.u32 @!p0 $0xF7A, s2;
	p2 =	seq.s32 @!p0 s5, $0x0  }
0x1f: {  	s9 =	smul.u32 $0xF7A, s1;
	s8 =	simm.s32 @!p0 $0x1BF5;
	p2 =	por !p2, p0  }
0x20: {  	[sflag:s8] =	ssyncset.s32 @!p0 $0xFFFFF086;
	s6 =	sadd.s32 @!p0 s3, s7;
	s7 =	simm.s32 @!p0 $0x108  }
0x21: {  	s3 =	sadd.s32 s3, s9;
	s6 =	sadd.s32 @!p0 $0x88, s6;
	s7 =	simm.s32 @p2 $0x1082  }
0x22: {  	[simem:s7], [sflag:s8] =	dma.local @!p0 [hbm:s6], $0xF7A  }
0x23: {  	s9 =	sor.u32 $0xD0000000, s2;
	s6 =	simm.s32 $0x108;
	_ =	swait.ge @!p0 [sflag:s8], $0x0  }
0x24: {  	s3 =	sadd.s32 $0x88, s3;
	s6 =	simm.s32 @!p1 $0x1082;
	[sflag:s4] =	ssyncset.s32 $0xFFFFF086  }
0x25: {  	[simem:s6], [sflag:s4] =	dma.local [hbm:s3], $0xF7A  }
0x26: {  	[smem:$0x3F9F] =	sst s1;
	(tag) =	ssettag s2;
	_ =	strace s9  }
0x27: {  	s1 =	sld [smem:$0x3FAF]  }
0x28: {  	s2 =	sld [smem:$0x3FB0]  }
0x29: {  	s4 =	sld [smem:$0x3FB2]  }
0x2a: {  	p0 =	seq.s32 s5, $0x0;
	s5 =	sld [smem:$0x3FB3]  }
0x2b: {  	s6 =	sld [smem:$0x3FB4]  }
0x2c: {  	s7 =	sld [smem:$0x3FB5]  }
0x2d: {  	s3 =	simm.s32 $0x108;
	s8 =	sld [smem:$0x3FB6]  }
0x2e: {  	s3 =	simm.s32 @!p0 $0x1082;
	s9 =	sld [smem:$0x3FB7]  }
0x2f: {  	lr =	sadd.s32 s0, s3;
	s0 =	sld [smem:$0x3FAE]  }
0x30: {  	s3 =	sld [smem:$0x3FB1]  }
0x31: {  	[smem:$0x3FBA] =	sst s10  }
0x32: {  	s10 =	sld [smem:$0x3FB8];
	_ =	sdelay $0x3  }
0x33: {  	p0 =	seq.s32 s10, $0x1;
	s10 =	sld [smem:$0x3FBA];
	_ =	sdelay $0x3  }
0x34: {  	[smem:$0x3FBA] =	sst s10  }
0x35: {  	s10 =	sld [smem:$0x3FB9];
	_ =	sdelay $0x3  }
0x36: {  	p1 =	seq.s32 s10, $0x1;
	s10 =	sld [smem:$0x3FBA];
	_ =	sdelay $0x3  }
0x37: {  	[smem:$0x3FBA] =	sst s10  }
0x38: {  	s10 =	sld [smem:$0x3FBB]  }
0x39: {  	_ = 	snop;
	(pc) =	sbr.ind lr, $3  }
0x3a: {  	_ = 	snop  }
0x3b: {  	_ = 	snop  }
0x3c: {  	p2 =	seq.s32 s10, $0x1;
	s10 =	sld [smem:$0x3FBA]  }
0x3d: {  	_ =	shalt  }
0x3e: {  	_ =	shalt  }
0x3f: {  	_ =	shalt  }
0x40: {  	_ =	shalt  }
0x41: {  	_ =	shalt  }
0x42: {  	_ =	shalt  }
0x43: {  	_ =	shalt  }
0x44: {  	_ =	shalt  }
0x45: {  	_ =	shalt  }
0x46: {  	_ =	shalt  }
0x47: {  	_ =	shalt  }
0x48: {  	_ =	shalt  }
0x49: {  	_ =	shalt  }
0x4a: {  	_ =	shalt  }
0x4b: {  	_ =	shalt  }
0x4c: {  	_ =	shalt  }
0x4d: {  	_ =	shalt  }
0x4e: {  	_ =	shalt  }
0x4f: {  	_ =	shalt  }
0x50: {  	_ =	shalt  }
0x51: {  	_ =	shalt  }
0x52: {  	_ =	shalt  }
0x53: {  	_ =	shalt  }
0x54: {  	_ =	shalt  }
0x55: {  	_ =	shalt  }
0x56: {  	_ =	shalt  }
0x57: {  	_ =	shalt  }
0x58: {  	_ =	shalt  }
0x59: {  	_ =	shalt  }
0x5a: {  	_ =	shalt  }
0x5b: {  	_ =	shalt  }
0x5c: {  	_ =	shalt  }
0x5d: {  	_ =	shalt  }
0x5e: {  	_ =	shalt  }
0x5f: {  	_ =	shalt  }
0x60: {  	_ =	shalt  }
0x61: {  	_ =	shalt  }
0x62: {  	_ =	shalt  }
0x63: {  	_ =	shalt  }
0x64: {  	_ =	shalt  }
0x65: {  	_ =	shalt  }
0x66: {  	_ =	shalt  }
0x67: {  	_ =	shalt  }
0x68: {  	_ =	shalt  }
0x69: {  	_ =	shalt  }
0x6a: {  	_ =	shalt  }
0x6b: {  	_ =	shalt  }
0x6c: {  	_ =	shalt  }
0x6d: {  	_ =	shalt  }
0x6e: {  	_ =	shalt  }
0x6f: {  	_ =	shalt  }
0x70: {  	_ =	shalt  }
0x71: {  	_ =	shalt  }
0x72: {  	_ =	shalt  }
0x73: {  	_ =	shalt  }
0x74: {  	_ =	shalt  }
0x75: {  	_ =	shalt  }
0x76: {  	_ =	shalt  }
0x77: {  	_ =	shalt  }
0x78: {  	_ =	shalt  }
0x79: {  	_ =	shalt  }
0x7a: {  	_ =	shalt  }
0x7b: {  	_ =	shalt  }
0x7c: {  	_ =	shalt  }
0x7d: {  	_ =	shalt  }
0x7e: {  	_ =	shalt  }
0x7f: {  	_ =	shalt  }
0x80: {  	_ =	shalt  }
0x81: {  	_ =	shalt  }
0x82: {  	_ =	shalt  }
0x83: {  	_ =	shalt  }
0x84: {  	_ =	shalt  }
0x85: {  	_ =	shalt  }
0x86: {  	_ =	shalt  }
0x87: {  	_ =	shalt  }
.Lfunc_end0:
.L_simem_size_0:
called_computation.1_lowered:
.L_overlay_start_0:
0x88: {  	s2 =	sld [smem:$0x3FD9]  }
0x89: {  	s3 =	sld [smem:$0x3FFE];
	_ =	sdelay $0x1  }
0x8a: {  	s1 =	srdreg.scid  }
0x8b: {  	s0 =	sand.u32 $0x1, s1  }
0x8c: {  	s17 =	sshll.u32 s0, $0xA;
	s2 =	sadd.s32 s3, s2  }
0x8d: {  	s2 =	sadd.s32 s2, s17  }
0x8e: {  	[smem:$0x3FC6] =	sst s2  }
0x8f: {  	_ = 	snop  }
0x90: {  	s2 =	sld [smem:$0x3FD0];
	(tm) =	ssettm $0x1  }
0x91: {  	s18 =	sld [smem:$0x3FFB];
	_ =	sdelay $0x3  }
0x92: {  	_ =	strace s18  }
0x93: {  	s3 =	sld [smem:$0x3FFC];
	_ =	sdelay $0x3  }
0x94: {  	_ =	strace s3  }
0x95: {  	s3 =	sld [smem:$0x3FFD];
	_ =	sdelay $0x3  }
0x96: {  	_ =	strace s3  }
0x97: {  	_ =	strace $0x8FFFFFFF  }
0x98: {  	s19 =	sld [smem:$0x3FDB];
	_ =	sdelay $0x1  }
0x99: {  	s4 =	simm.s32 $_scs_section_size  }
0x9a: {  	s5 =	simm.s32 $_size__tile_overlayer_lowered;
	s6 =	simm.s32 $_tile_overlayer_lowered  }
0x9b: {  	s22 =	simm.s32 $0x1BFF;
	s21 =	sshll.u32 s6, $0x1;
	s3 =	sadd.s32 s4, s19  }
0x9c: {  	s7 =	simm.s32 $0x0;
	s20 =	sshll.u32 s5, $0x1;
	s5 =	sadd.s32 s21, s3  }
0x9d: {  	[timem:s7], [sflag:s22] =	dma.local [hbm:s5], s20  }
0x9e: {  	_ =	swait.ge [sflag:s22], s20  }
0x9f: {  	s4 =	ssub.s32 $0x0, s20;
	[sflag:s22] =	ssyncset.done $0x0  }
0xa0: {  	[sflag:s22] =	ssyncadd.s32 s4;
	_ =	sdelay $0x1  }
0xa1: {  	s23 =	simm.s32 $0x1B8B  }
0xa2: {  	_ =	swait.ge [sflag:s23], $0x1  }
0xa3: {  	[sflag:s23] =	ssyncset.done $0x0  }
0xa4: {  	s25 =	simm.s32 $0x1B8E;
	s24 =	sld [smem:$0x3FFE];
	[sflag:s23] =	ssyncadd.s32 $0xFFFFFFFF  }
0xa5: {  	s26 =	simm.s32 $execute0_lowered;
	[smem:$0x3FD2] =	sst s25  }
0xa6: {  	s5 =	sshll.u32 s26, $0x1;
	_ =	strace $0x80000046;
	[dreg:$0x1] =	wrdreg $0xFFFFFFFF  }
0xa7: {  	s28 =	simm.s32 $_size_execute0_lowered;
	s3 =	sadd.s32 s3, s5;
	[dreg:$0x0] =	wrdreg $0x0  }
0xa8: {  	s5 =	sshll.u32 s28, $0x1;
	[dreg:$0x2] =	wrdreg s3  }
0xa9: {  	[dreg:$0x3] =	wrdreg s5  }
0xaa: {  	[dreg:$0x4] =	wrdreg $0xC0  }
0xab: {  	_ =	task [dreg:s7], $0x5FFFF  }
0xac: {  	[dreg:$0x1] =	wrdreg $0xFFFFFFFF  }
0xad: {  	[dreg:$0x0] =	wrdreg $0x60  }
0xae: {  	[dreg:$0x2] =	wrdreg s2  }
0xaf: {  	[dreg:$0x3] =	wrdreg s24  }
0xb0: {  	[dreg:$0x4] =	wrdreg $0x9  }
0xb1: {  	_ =	task.clear_ibuf [dreg:s7], $0x5FFFF;
	_ =	strace $0x90000046  }
0xb2: {  	s29 =	simm.s32 $0x9;
	_ =	strace $0x80000048  }
0xb3: {  	_ =	swait.ge [sflag:s29], $0x1  }
0xb4: {  	[sflag:s29] =	ssyncadd.s32 $0xFFFFFFFF  }
0xb5: {  	_ =	strace $0x90000048  }
0xb6: {  	_ =	sfence  }
0xb7: {  	s30 =	sld [smem:$0x0];
	_ =	sdelay $0x2  }
0xb8: {  	s31 =	sshll.u32 s1, $0xD;
	s1 =	sshrl.u32 s1, $0x2  }
0xb9: {  	s3 =	sand.u32 $0x4000, s31;
	s1 =	sadd.s32 s1, s30  }
0xba: {  	s0 =	sor.u32 s3, s0;
	s1 =	sshll.u32 s1, $0x11  }
0xbb: {  	s0 =	sor.u32 s1, s0  }
0xbc: {  	s0 =	sadd.s32 $0x8F2B, s0  }
0xbd: {  	[sflag:s0] =	ssyncadd.remote.s32 $0x1  }
0xbe: {  	_ =	sfence.sel $0xFFFF  }
0xbf: {  	[dreg:$0x0] =	wrdreg $0xFFFFFFFF;
	(pc) =	sbr.abs _section_cstart, $3  }
0xc0: {  	[dreg:$0x1] =	wrdreg $0xFFFFFFFF  }
0xc1: {  	_ =	task.clear_ibuf [dreg:s7], $0x2FFFF;
	_ =	strace $0x9FFFFFFF  }
0xc2: {  	(tm) =	ssettm $0x7FFFFFFF  }
0xc3: {  	_ =	shalt  }
tec
execute0_lowered:
.L_overlay_start_1:
0x0: {  	(tag) =	ssettag $0x1  }
0x1: {  	s0 =	rddreg [dreg:$0x0]  }
0x2: {  	s1 =	rddreg [dreg:$0x1]  }
0x3: {  	s2 =	srdreg.scid;
	s9 =	stileid.u32  }
0x4: {  	s5 =	simm.s32 $0x0;
	s11 =	simm.s32 $0x7;
	s12 =	simm.s32 $0x68  }
0x5: {  	s13 =	simm.s32 $0x6400;
	s14 =	simm.s32 $0x60;
	s15 =	simm.s32 $0x7E00  }
0x6: {  	s17 =	simm.s32 $0x9600;
	s19 =	simm.s32 $0xB000;
	s28 =	simm.s32 $0x11400  }
0x7: {  	s30 =	simm.s32 $0x12C00;
	s16 =	simm.s32 $0x15E00;
	s20 =	simm.s32 $0x17800  }
0x8: {  	s29 =	simm.s32 $0x4;
	s18 =	simm.s32 $0x5;
	s31 =	simm.s32 $0x3  }
0x9: {  	s2 =	sand.u32 $0x1, s2;
	s3 =	sshll.u32 s9, $0x8;
	[smem:$0x7FF] =	sst s5  }
0xa: {  	s23 =	smul.u32 $0xC8000, s9;
	s4 =	sshll.u32 s2, $0x7;
	_ =	strace $0x80000047  }
0xb: {  	s21 =	ssub.s32 $0x2, s2;
	s2 =	smul.u32 $0x64000, s2;
	s4 =	sor.u32 s4, s3  }
0xc: {  	s3 =	sadd.s32 $0x800, s1;
	s7 =	sshrl.u32 s21, $0x1;
	s6 =	smul.u32 $0x19, s4  }
0xd: {  	s1 =	sadd.s32 $0x800800, s1;
	s8 =	smul.u32 $0x6400, s4;
	s7 =	ssub.s32 s21, s7  }
0xe: {  	s4 =	smul.u32 $0xC80, s4;
	s21 =	simm.s32 $0xC800;
	s25 =	smax.u32 s7, $0x1  }
0xf: {  	s0 =	sadd.s32 s0, s6;
	s22 =	sshrl.u32 s8, $0x3;
	[dreg:$0x7] =	wrdreg s25  }
0x10: {  	s5 =	sadd.s32 s1, s4;
	s25 =	simm.s32 $0xFA00;
	[dreg:$0x3] =	wrdreg s0  }
0x11: {  	s0 =	sadd.s32 s1, s22;
	s4 =	sadd.s32 $0x1900, s5;
	s1 =	sadd.s32 s23, s1  }
0x12: {  	s23 =	simm.s32 $0xE200;
	s22 =	simm.s32 $0x1;
	[dreg:$0x4] =	wrdreg s4  }
0x13: {  	s24 =	sadd.s32 $0x60E00, s0;
	s0 =	sadd.s32 $0x62700, s0;
	s26 =	sadd.s32 s2, s1  }
0x14: {  	s1 =	simm.s32 $0x2;
	s2 =	simm.s32 $0x6;
	[dreg:$0x5] =	wrdreg s24  }
0x15: {  	s4 =	simm.s32 $0x0;
	[dreg:$0x6] =	wrdreg s0;
	s10 =	sadd.s32 $0x3200, s26  }
0x16: {  	s0 =	simm.s32 $0x14600;
	s24 =	simm.s32 $0x40;
	s26 =	simm.s32 $0x80  }
.LBB2_1:
0x17: {  	s6 =	simm.s32 $0x0;
	s7 =	rddreg [dreg:$0x3]  }
0x18: {  	[tilespmem:s6], [sflag:$0x7] =	stream.linear.gather [hbm4b:s7+s6], $0x6400, $0x38;
	[tilespmem:$0x19000] =	vst v63  }
0x19: {  	_ =	swait.ge [sflag:s11], $0x6400  }
0x1a: {  	[sflag:s11] =	ssyncset.done $0x0  }
0x1b: {  	[sflag:s11] =	ssyncadd.s32 $0xFFFF9C00  }
0x1c: {  	[tilespmem:s13], [sflag:$0x1] =	stream.indirect.gather [hbm4b:s3+s12], $0x40, s6, s12, $0xb8;
	[tilespmem:$0x19000] =	vst v63  }
0x1d: {  	_ = 	snop  }
0x1e: {  	[tilespmem:s15], [sflag:$0x1] =	stream.indirect.gather [hbm4b:s3+s14], $0x40, s12, s14, $0xb8;
	[tilespmem:$0x19000] =	vst v63  }
0x1f: {  	s9 =	simm.s32 $0xC8  }
0x20: {  	[tilespmem:s17], [sflag:$0x1] =	stream.indirect.gather [hbm4b:s3+s12], $0x40, s9, s12, $0xb8;
	[tilespmem:$0x19000] =	vst v63  }
0x21: {  	s7 =	simm.s32 $0x130  }
0x22: {  	[tilespmem:s19], [sflag:$0x1] =	stream.indirect.gather [hbm4b:s3+s14], $0x40, s7, s14, $0xb8;
	[tilespmem:$0x19000] =	vst v63  }
0x23: {  	s8 =	simm.s32 $0x190  }
0x24: {  	[tilespmem:s21], [sflag:$0x2] =	stream.indirect.gather [hbm4b:s3+s12], $0x40, s8, s12, $0xb8;
	[tilespmem:$0x19000] =	vst v63  }
0x25: {  	s9 =	simm.s32 $0x1F8  }
0x26: {  	[tilespmem:s23], [sflag:$0x2] =	stream.indirect.gather [hbm4b:s3+s14], $0x40, s9, s14, $0xb8;
	[tilespmem:$0x19000] =	vst v63  }
0x27: {  	s7 =	simm.s32 $0x258  }
0x28: {  	[tilespmem:s25], [sflag:$0x2] =	stream.indirect.gather [hbm4b:s3+s12], $0x40, s7, s12, $0xb8;
	[tilespmem:$0x19000] =	vst v63  }
0x29: {  	s8 =	simm.s32 $0x2C0  }
0x2a: {  	[tilespmem:s28], [sflag:$0x2] =	stream.indirect.gather [hbm4b:s3+s14], $0x40, s8, s14, $0xb8;
	[tilespmem:$0x19000] =	vst v63  }
0x2b: {  	s9 =	simm.s32 $0x320  }
0x2c: {  	[tilespmem:s30], [sflag:$0x3] =	stream.indirect.gather [hbm4b:s3+s12], $0x40, s9, s12, $0xb8;
	[tilespmem:$0x19000] =	vst v63  }
0x2d: {  	s7 =	simm.s32 $0x388  }
0x2e: {  	[tilespmem:s0], [sflag:$0x3] =	stream.indirect.gather [hbm4b:s3+s14], $0x40, s7, s14, $0xb8;
	[tilespmem:$0x19000] =	vst v63  }
0x2f: {  	s8 =	simm.s32 $0x3E8  }
0x30: {  	[tilespmem:s16], [sflag:$0x3] =	stream.indirect.gather [hbm4b:s3+s12], $0x40, s8, s12, $0xb8;
	[tilespmem:$0x19000] =	vst v63  }
0x31: {  	s9 =	simm.s32 $0x450  }
0x32: {  	[tilespmem:s20], [sflag:$0x3] =	stream.indirect.gather [hbm4b:s3+s14], $0x40, s9, s14, $0xb8;
	[tilespmem:$0x19000] =	vst v63  }
0x33: {  	_ =	swait.ge [sflag:s22], $0x1A00  }
0x34: {  	[sflag:s22] =	ssyncset.done $0x0  }
0x35: {  	[sflag:s22] =	ssyncadd.s32 $0xFFFFE600  }
0x36: {  	_ =	swait.ge [sflag:s22], $0x1800  }
0x37: {  	[sflag:s22] =	ssyncset.done $0x0  }
0x38: {  	[sflag:s22] =	ssyncadd.s32 $0xFFFFE800  }
0x39: {  	_ =	swait.ge [sflag:s22], $0x1A00  }
0x3a: {  	[sflag:s22] =	ssyncset.done $0x0  }
0x3b: {  	[sflag:s22] =	ssyncadd.s32 $0xFFFFE600  }
0x3c: {  	_ =	swait.ge [sflag:s22], $0x1800  }
0x3d: {  	[sflag:s22] =	ssyncset.done $0x0  }
0x3e: {  	[sflag:s22] =	ssyncadd.s32 $0xFFFFE800  }
0x3f: {  	[hbm4b:s5+s24] =	stream.strided.scatter [tilespmem:s13], [sflag:$0x4], $0x6400, s26, s24, $0x38;
	[tilespmem:$0x19000] =	vst v63  }
0x40: {  	_ =	swait.ge [sflag:s29], $0x6400  }
0x41: {  	[sflag:s29] =	ssyncset.done $0x0  }
0x42: {  	s7 =	simm.s32 $0x4B0;
	[sflag:s29] =	ssyncadd.s32 $0xFFFF9C00  }
0x43: {  	[tilespmem:s13], [sflag:$0x1] =	stream.indirect.gather [hbm4b:s3+s12], $0x40, s7, s12, $0xb8;
	[tilespmem:$0x19000] =	vst v63  }
0x44: {  	s8 =	simm.s32 $0x518  }
0x45: {  	[tilespmem:s15], [sflag:$0x1] =	stream.indirect.gather [hbm4b:s3+s14], $0x40, s8, s14, $0xb8;
	[tilespmem:$0x19000] =	vst v63  }
0x46: {  	s9 =	simm.s32 $0x578  }
0x47: {  	[tilespmem:s17], [sflag:$0x1] =	stream.indirect.gather [hbm4b:s3+s12], $0x40, s9, s12, $0xb8;
	[tilespmem:$0x19000] =	vst v63  }
0x48: {  	s7 =	simm.s32 $0x5E0  }
0x49: {  	[tilespmem:s19], [sflag:$0x1] =	stream.indirect.gather [hbm4b:s3+s14], $0x40, s7, s14, $0xb8;
	[tilespmem:$0x19000] =	vst v63  }
0x4a: {  	_ =	swait.ge [sflag:s1], $0x1A00  }
0x4b: {  	[sflag:s1] =	ssyncset.done $0x0  }
0x4c: {  	[sflag:s1] =	ssyncadd.s32 $0xFFFFE600  }
0x4d: {  	_ =	swait.ge [sflag:s1], $0x1800  }
0x4e: {  	[sflag:s1] =	ssyncset.done $0x0  }
0x4f: {  	[sflag:s1] =	ssyncadd.s32 $0xFFFFE800  }
0x50: {  	_ =	swait.ge [sflag:s1], $0x1A00  }
0x51: {  	[sflag:s1] =	ssyncset.done $0x0  }
0x52: {  	[sflag:s1] =	ssyncadd.s32 $0xFFFFE600  }
0x53: {  	_ =	swait.ge [sflag:s1], $0x1800  }
0x54: {  	[sflag:s1] =	ssyncset.done $0x0  }
0x55: {  	s8 =	rddreg [dreg:$0x4];
	[sflag:s1] =	ssyncadd.s32 $0xFFFFE800  }
0x56: {  	[hbm4b:s8+s24] =	stream.strided.scatter [tilespmem:s21], [sflag:$0x5], $0x6400, s26, s24, $0x38;
	[tilespmem:$0x19000] =	vst v63  }
0x57: {  	_ =	swait.ge [sflag:s18], $0x6400  }
0x58: {  	[sflag:s18] =	ssyncset.done $0x0  }
0x59: {  	s9 =	simm.s32 $0x640;
	[sflag:s18] =	ssyncadd.s32 $0xFFFF9C00  }
0x5a: {  	[tilespmem:s21], [sflag:$0x2] =	stream.indirect.gather [hbm4b:s3+s12], $0x40, s9, s12, $0xb8;
	[tilespmem:$0x19000] =	vst v63  }
0x5b: {  	s7 =	simm.s32 $0x6A8  }
0x5c: {  	[tilespmem:s23], [sflag:$0x2] =	stream.indirect.gather [hbm4b:s3+s14], $0x40, s7, s14, $0xb8;
	[tilespmem:$0x19000] =	vst v63  }
0x5d: {  	s8 =	simm.s32 $0x708  }
0x5e: {  	[tilespmem:s25], [sflag:$0x2] =	stream.indirect.gather [hbm4b:s3+s12], $0x40, s8, s12, $0xb8;
	[tilespmem:$0x19000] =	vst v63  }
0x5f: {  	s9 =	simm.s32 $0x770  }
0x60: {  	[tilespmem:s28], [sflag:$0x2] =	stream.indirect.gather [hbm4b:s3+s14], $0x40, s9, s14, $0xb8;
	[tilespmem:$0x19000] =	vst v63  }
0x61: {  	_ =	swait.ge [sflag:s31], $0x1A00  }
0x62: {  	[sflag:s31] =	ssyncset.done $0x0  }
0x63: {  	[sflag:s31] =	ssyncadd.s32 $0xFFFFE600  }
0x64: {  	_ =	swait.ge [sflag:s31], $0x1800  }
0x65: {  	[sflag:s31] =	ssyncset.done $0x0  }
0x66: {  	[sflag:s31] =	ssyncadd.s32 $0xFFFFE800  }
0x67: {  	_ =	swait.ge [sflag:s31], $0x1A00  }
0x68: {  	[sflag:s31] =	ssyncset.done $0x0  }
0x69: {  	[sflag:s31] =	ssyncadd.s32 $0xFFFFE600  }
0x6a: {  	_ =	swait.ge [sflag:s31], $0x1800  }
0x6b: {  	[sflag:s31] =	ssyncset.done $0x0  }
0x6c: {  	[sflag:s31] =	ssyncadd.s32 $0xFFFFE800  }
0x6d: {  	[hbm4b:s10+s24] =	stream.strided.scatter [tilespmem:s30], [sflag:$0x6], $0x6400, s26, s24, $0x38;
	[tilespmem:$0x19000] =	vst v63  }
0x6e: {  	_ =	swait.ge [sflag:s2], $0x6400  }
0x6f: {  	[sflag:s2] =	ssyncset.done $0x0  }
0x70: {  	s7 =	simm.s32 $0x7D0;
	[sflag:s2] =	ssyncadd.s32 $0xFFFF9C00  }
0x71: {  	[tilespmem:s30], [sflag:$0x3] =	stream.indirect.gather [hbm4b:s3+s12], $0x40, s7, s12, $0xb8;
	[tilespmem:$0x19000] =	vst v63  }
0x72: {  	s8 =	simm.s32 $0x838  }
0x73: {  	[tilespmem:s0], [sflag:$0x3] =	stream.indirect.gather [hbm4b:s3+s14], $0x40, s8, s14, $0xb8;
	[tilespmem:$0x19000] =	vst v63  }
0x74: {  	s9 =	simm.s32 $0x898  }
0x75: {  	[tilespmem:s16], [sflag:$0x3] =	stream.indirect.gather [hbm4b:s3+s12], $0x40, s9, s12, $0xb8;
	[tilespmem:$0x19000] =	vst v63  }
0x76: {  	s7 =	simm.s32 $0x900  }
0x77: {  	[tilespmem:s20], [sflag:$0x3] =	stream.indirect.gather [hbm4b:s3+s14], $0x40, s7, s14, $0xb8;
	[tilespmem:$0x19000] =	vst v63  }
0x78: {  	_ =	swait.ge [sflag:s22], $0x1A00  }
0x79: {  	[sflag:s22] =	ssyncset.done $0x0  }
0x7a: {  	[sflag:s22] =	ssyncadd.s32 $0xFFFFE600  }
0x7b: {  	_ =	swait.ge [sflag:s22], $0x1800  }
0x7c: {  	[sflag:s22] =	ssyncset.done $0x0  }
0x7d: {  	[sflag:s22] =	ssyncadd.s32 $0xFFFFE800  }
0x7e: {  	_ =	swait.ge [sflag:s22], $0x1A00  }
0x7f: {  	[sflag:s22] =	ssyncset.done $0x0  }
0x80: {  	[sflag:s22] =	ssyncadd.s32 $0xFFFFE600  }
0x81: {  	_ =	swait.ge [sflag:s22], $0x1800  }
0x82: {  	[sflag:s22] =	ssyncset.done $0x0  }
0x83: {  	s8 =	sadd.s32 $0x1900, s10;
	[sflag:s22] =	ssyncadd.s32 $0xFFFFE800  }
0x84: {  	[hbm4b:s8+s24] =	stream.strided.scatter [tilespmem:s13], [sflag:$0x4], $0x6400, s26, s24, $0x38;
	[tilespmem:$0x19000] =	vst v63  }
0x85: {  	_ =	swait.ge [sflag:s29], $0x6400  }
0x86: {  	[sflag:s29] =	ssyncset.done $0x0  }
0x87: {  	s9 =	simm.s32 $0x960;
	[sflag:s29] =	ssyncadd.s32 $0xFFFF9C00  }
0x88: {  	[tilespmem:s13], [sflag:$0x1] =	stream.indirect.gather [hbm4b:s3+s12], $0x40, s9, s12, $0xb8;
	[tilespmem:$0x19000] =	vst v63  }
0x89: {  	s7 =	simm.s32 $0x9C8  }
0x8a: {  	[tilespmem:s15], [sflag:$0x1] =	stream.indirect.gather [hbm4b:s3+s14], $0x40, s7, s14, $0xb8;
	[tilespmem:$0x19000] =	vst v63  }
0x8b: {  	s8 =	simm.s32 $0xA28  }
0x8c: {  	[tilespmem:s17], [sflag:$0x1] =	stream.indirect.gather [hbm4b:s3+s12], $0x40, s8, s12, $0xb8;
	[tilespmem:$0x19000] =	vst v63  }
0x8d: {  	s9 =	simm.s32 $0xA90  }
0x8e: {  	[tilespmem:s19], [sflag:$0x1] =	stream.indirect.gather [hbm4b:s3+s14], $0x40, s9, s14, $0xb8;
	[tilespmem:$0x19000] =	vst v63  }
0x8f: {  	_ =	swait.ge [sflag:s1], $0x1A00  }
0x90: {  	[sflag:s1] =	ssyncset.done $0x0  }
0x91: {  	[sflag:s1] =	ssyncadd.s32 $0xFFFFE600  }
0x92: {  	_ =	swait.ge [sflag:s1], $0x1800  }
0x93: {  	[sflag:s1] =	ssyncset.done $0x0  }
0x94: {  	[sflag:s1] =	ssyncadd.s32 $0xFFFFE800  }
0x95: {  	_ =	swait.ge [sflag:s1], $0x1A00  }
0x96: {  	[sflag:s1] =	ssyncset.done $0x0  }
0x97: {  	[sflag:s1] =	ssyncadd.s32 $0xFFFFE600  }
0x98: {  	_ =	swait.ge [sflag:s1], $0x1800  }
0x99: {  	s6 =	simm.s32 $0x12C0;
	[sflag:s1] =	ssyncset.done $0x0  }
0x9a: {  	s7 =	sadd.s32 $0x4B00, s10;
	s8 =	sadd.s32 $0x3200, s10;
	[sflag:s1] =	ssyncadd.s32 $0xFFFFE800  }
.LBB2_2:
0x9b: {  	[hbm4b:s8+s24] =	stream.strided.scatter [tilespmem:s21], [sflag:$0x5], $0x6400, s26, s24, $0x38;
	[tilespmem:$0x19000] =	vst v63  }
0x9c: {  	s8 =	smov.u32 s6  }
0x9d: {  	p0 =	sne.s32 s6, $0x16440;
	s6 =	sadd.s32 $0x12C0, s6;
	_ =	swait.ge [sflag:s18], $0x6400  }
0x9e: {  	s8 =	sshra.s32 s8, $0x2;
	[sflag:s18] =	ssyncset.done $0x0  }
0x9f: {  	s9 =	sadd.s32 $0x640, s8;
	[sflag:s18] =	ssyncadd.s32 $0xFFFF9C00  }
0xa0: {  	[tilespmem:s21], [sflag:$0x2] =	stream.indirect.gather [hbm4b:s3+s12], $0x40, s9, s12, $0xb8;
	[tilespmem:$0x19000] =	vst v63  }
0xa1: {  	s9 =	sadd.s32 $0x6A8, s8  }
0xa2: {  	[tilespmem:s23], [sflag:$0x2] =	stream.indirect.gather [hbm4b:s3+s14], $0x40, s9, s14, $0xb8;
	[tilespmem:$0x19000] =	vst v63  }
0xa3: {  	s9 =	sadd.s32 $0x708, s8  }
0xa4: {  	[tilespmem:s25], [sflag:$0x2] =	stream.indirect.gather [hbm4b:s3+s12], $0x40, s9, s12, $0xb8;
	[tilespmem:$0x19000] =	vst v63  }
0xa5: {  	s9 =	sadd.s32 $0x770, s8  }
0xa6: {  	[tilespmem:s28], [sflag:$0x2] =	stream.indirect.gather [hbm4b:s3+s14], $0x40, s9, s14, $0xb8;
	[tilespmem:$0x19000] =	vst v63  }
0xa7: {  	_ =	swait.ge [sflag:s31], $0x1A00  }
0xa8: {  	[sflag:s31] =	ssyncset.done $0x0  }
0xa9: {  	[sflag:s31] =	ssyncadd.s32 $0xFFFFE600  }
0xaa: {  	_ =	swait.ge [sflag:s31], $0x1800  }
0xab: {  	[sflag:s31] =	ssyncset.done $0x0  }
0xac: {  	[sflag:s31] =	ssyncadd.s32 $0xFFFFE800  }
0xad: {  	_ =	swait.ge [sflag:s31], $0x1A00  }
0xae: {  	[sflag:s31] =	ssyncset.done $0x0  }
0xaf: {  	[sflag:s31] =	ssyncadd.s32 $0xFFFFE600  }
0xb0: {  	_ =	swait.ge [sflag:s31], $0x1800  }
0xb1: {  	[sflag:s31] =	ssyncset.done $0x0  }
0xb2: {  	[sflag:s31] =	ssyncadd.s32 $0xFFFFE800  }
0xb3: {  	[hbm4b:s7+s24] =	stream.strided.scatter [tilespmem:s30], [sflag:$0x6], $0x6400, s26, s24, $0x38;
	[tilespmem:$0x19000] =	vst v63  }
0xb4: {  	_ =	swait.ge [sflag:s2], $0x6400  }
0xb5: {  	[sflag:s2] =	ssyncset.done $0x0  }
0xb6: {  	s9 =	sadd.s32 $0x7D0, s8;
	[sflag:s2] =	ssyncadd.s32 $0xFFFF9C00  }
0xb7: {  	[tilespmem:s30], [sflag:$0x3] =	stream.indirect.gather [hbm4b:s3+s12], $0x40, s9, s12, $0xb8;
	[tilespmem:$0x19000] =	vst v63  }
0xb8: {  	s9 =	sadd.s32 $0x838, s8  }
0xb9: {  	[tilespmem:s0], [sflag:$0x3] =	stream.indirect.gather [hbm4b:s3+s14], $0x40, s9, s14, $0xb8;
	[tilespmem:$0x19000] =	vst v63  }
0xba: {  	s9 =	sadd.s32 $0x898, s8  }
0xbb: {  	[tilespmem:s16], [sflag:$0x3] =	stream.indirect.gather [hbm4b:s3+s12], $0x40, s9, s12, $0xb8;
	[tilespmem:$0x19000] =	vst v63  }
0xbc: {  	s9 =	sadd.s32 $0x900, s8  }
0xbd: {  	[tilespmem:s20], [sflag:$0x3] =	stream.indirect.gather [hbm4b:s3+s14], $0x40, s9, s14, $0xb8;
	[tilespmem:$0x19000] =	vst v63  }
0xbe: {  	_ =	swait.ge [sflag:s22], $0x1A00  }
0xbf: {  	[sflag:s22] =	ssyncset.done $0x0  }
0xc0: {  	[sflag:s22] =	ssyncadd.s32 $0xFFFFE600  }
0xc1: {  	_ =	swait.ge [sflag:s22], $0x1800  }
0xc2: {  	[sflag:s22] =	ssyncset.done $0x0  }
0xc3: {  	[sflag:s22] =	ssyncadd.s32 $0xFFFFE800  }
0xc4: {  	_ =	swait.ge [sflag:s22], $0x1A00  }
0xc5: {  	[sflag:s22] =	ssyncset.done $0x0  }
0xc6: {  	[sflag:s22] =	ssyncadd.s32 $0xFFFFE600  }
0xc7: {  	_ =	swait.ge [sflag:s22], $0x1800  }
0xc8: {  	[sflag:s22] =	ssyncset.done $0x0  }
0xc9: {  	s9 =	sadd.s32 $0x1900, s7;
	[sflag:s22] =	ssyncadd.s32 $0xFFFFE800  }
0xca: {  	[hbm4b:s9+s24] =	stream.strided.scatter [tilespmem:s13], [sflag:$0x4], $0x6400, s26, s24, $0x38;
	[tilespmem:$0x19000] =	vst v63  }
0xcb: {  	_ =	swait.ge [sflag:s29], $0x6400  }
0xcc: {  	[sflag:s29] =	ssyncset.done $0x0  }
0xcd: {  	s9 =	sadd.s32 $0x960, s8;
	[sflag:s29] =	ssyncadd.s32 $0xFFFF9C00  }
0xce: {  	[tilespmem:s13], [sflag:$0x1] =	stream.indirect.gather [hbm4b:s3+s12], $0x40, s9, s12, $0xb8;
	[tilespmem:$0x19000] =	vst v63  }
0xcf: {  	s9 =	sadd.s32 $0x9C8, s8  }
0xd0: {  	[tilespmem:s15], [sflag:$0x1] =	stream.indirect.gather [hbm4b:s3+s14], $0x40, s9, s14, $0xb8;
	[tilespmem:$0x19000] =	vst v63  }
0xd1: {  	s9 =	sadd.s32 $0xA28, s8  }
0xd2: {  	[tilespmem:s17], [sflag:$0x1] =	stream.indirect.gather [hbm4b:s3+s12], $0x40, s9, s12, $0xb8;
	[tilespmem:$0x19000] =	vst v63  }
0xd3: {  	s8 =	sadd.s32 $0xA90, s8  }
0xd4: {  	[tilespmem:s19], [sflag:$0x1] =	stream.indirect.gather [hbm4b:s3+s14], $0x40, s8, s14, $0xb8;
	[tilespmem:$0x19000] =	vst v63  }
0xd5: {  	_ =	swait.ge [sflag:s1], $0x1A00  }
0xd6: {  	[sflag:s1] =	ssyncset.done $0x0  }
0xd7: {  	[sflag:s1] =	ssyncadd.s32 $0xFFFFE600  }
0xd8: {  	_ =	swait.ge [sflag:s1], $0x1800  }
0xd9: {  	[sflag:s1] =	ssyncset.done $0x0  }
0xda: {  	[sflag:s1] =	ssyncadd.s32 $0xFFFFE800  }
0xdb: {  	_ =	swait.ge [sflag:s1], $0x1A00  }
.Ltmp0:
0xdc: {  	[sflag:s1] =	ssyncset.done $0x0;
	(pc) =	sbr.rel @p0 .LBB2_2-.Ltmp0, $4  }
0xdd: {  	[sflag:s1] =	ssyncadd.s32 $0xFFFFE600  }
0xde: {  	_ =	swait.ge [sflag:s1], $0x1800  }
0xdf: {  	[sflag:s1] =	ssyncset.done $0x0  }
0xe0: {  	s8 =	sadd.s32 $0x3200, s7;
	s7 =	sadd.s32 $0x4B00, s7;
	[sflag:s1] =	ssyncadd.s32 $0xFFFFE800  }
0xe1: {  	[hbm4b:s8+s24] =	stream.strided.scatter [tilespmem:s21], [sflag:$0x5], $0x6400, s26, s24, $0x38;
	[tilespmem:$0x19000] =	vst v63  }
0xe2: {  	_ =	swait.ge [sflag:s18], $0x6400  }
0xe3: {  	[sflag:s18] =	ssyncset.done $0x0  }
0xe4: {  	[sflag:s18] =	ssyncadd.s32 $0xFFFF9C00  }
0xe5: {  	_ =	swait.ge [sflag:s31], $0x1A00  }
0xe6: {  	[sflag:s31] =	ssyncset.done $0x0  }
0xe7: {  	[sflag:s31] =	ssyncadd.s32 $0xFFFFE600  }
0xe8: {  	_ =	swait.ge [sflag:s31], $0x1800  }
0xe9: {  	[sflag:s31] =	ssyncset.done $0x0  }
0xea: {  	[sflag:s31] =	ssyncadd.s32 $0xFFFFE800  }
0xeb: {  	_ =	swait.ge [sflag:s31], $0x1A00  }
0xec: {  	[sflag:s31] =	ssyncset.done $0x0  }
0xed: {  	[sflag:s31] =	ssyncadd.s32 $0xFFFFE600  }
0xee: {  	_ =	swait.ge [sflag:s31], $0x1800  }
0xef: {  	[sflag:s31] =	ssyncset.done $0x0  }
0xf0: {  	s6 =	rddreg [dreg:$0x5];
	[sflag:s31] =	ssyncadd.s32 $0xFFFFE800  }
0xf1: {  	[hbm4b:s6+s24] =	stream.strided.scatter [tilespmem:s30], [sflag:$0x6], $0x6400, s26, s24, $0x38;
	[tilespmem:$0x19000] =	vst v63  }
0xf2: {  	_ =	swait.ge [sflag:s22], $0x1A00  }
0xf3: {  	[sflag:s22] =	ssyncset.done $0x0  }
0xf4: {  	[sflag:s22] =	ssyncadd.s32 $0xFFFFE600  }
0xf5: {  	_ =	swait.ge [sflag:s22], $0x1800  }
0xf6: {  	[sflag:s22] =	ssyncset.done $0x0  }
0xf7: {  	[sflag:s22] =	ssyncadd.s32 $0xFFFFE800  }
0xf8: {  	_ =	swait.ge [sflag:s22], $0x1A00  }
0xf9: {  	[sflag:s22] =	ssyncset.done $0x0  }
0xfa: {  	[sflag:s22] =	ssyncadd.s32 $0xFFFFE600  }
0xfb: {  	_ =	swait.ge [sflag:s22], $0x1800  }
0xfc: {  	[sflag:s22] =	ssyncset.done $0x0  }
0xfd: {  	s8 =	rddreg [dreg:$0x6];
	[sflag:s22] =	ssyncadd.s32 $0xFFFFE800  }
0xfe: {  	[hbm4b:s8+s24] =	stream.strided.scatter [tilespmem:s13], [sflag:$0x4], $0x6400, s26, s24, $0x38;
	[tilespmem:$0x19000] =	vst v63  }
0xff: {  	_ =	swait.ge [sflag:s2], $0x6400  }
0x100: {  	[sflag:s2] =	ssyncset.done $0x0  }
0x101: {  	[sflag:s2] =	ssyncadd.s32 $0xFFFF9C00  }
0x102: {  	_ =	swait.ge [sflag:s29], $0x6400  }
0x103: {  	s4 =	sadd.s32 $0x1, s4;
	s9 =	rddreg [dreg:$0x7]  }
0x104: {  	p0 =	sne.s32 s4, s9  }
.Ltmp1:
0x105: {  	_ = 	snop;
	(pc) =	sbr.rel @p0 .LBB2_1-.Ltmp1, $3  }
0x106: {  	_ =	sdelay $0x1  }
0x107: {  	[sflag:s29] =	ssyncset.done $0x0  }
0x108: {  	[sflag:s29] =	ssyncadd.s32 $0xFFFF9C00  }
0x109: {  	_ =	sfence.sel $0x180000  }
0x10a: {  	[bflag:$0x0] =	sbarrier.arrive $0xFFFF  }
0x10b: {  	_ =	strace $0x90000047  }
0x10c: {  	s0 =	stileid.u32;
	[bflag:$0x2] =	sbarrier.arrive $0xFFFF  }
0x10d: {  	p0 =	sne.s32 s0, $0x0;
	s0 =	rddreg [dreg:$0x2]  }
0x10e: {  	s0 =	sadd.s32 @!p0 $0x100000, s0  }
0x10f: {  	[sflag:s0] =	ssyncadd.tile.s32 @!p0 $0x1;
	_ =	shalt  }
.Lfunc_end2:
_tile_overlayer_lowered:
.L_overlay_start_2:
0x110: {  	(tag) =	ssettag $0x2  }
0x111: {  	s0 =	rddreg [dreg:$0x0];
	s2 =	stileid.u32  }
0x112: {  	s1 =	rddreg [dreg:$0x1];
	p0 =	sne.s32 s2, $0x0  }
0x113: {  	s3 =	rddreg [dreg:$0x2];
	[bflag:$0x3] =	sbarrier.arrive $0xFFFF;
	s2 =	simm.s32 @!p0 $0x1C07  }
0x114: {  	[timem:s3], [sflag:s2] =	dma.local @!p0 [hbm:s0], s1  }
0x115: {  	s0 =	simm.s32 @!p0 $0x7  }
0x116: {  	_ =	swait.ge @!p0 [sflag:s0], s1  }
0x117: {  	s1 =	ssub.s32 @!p0 $0x0, s1;
	[sflag:s0] =	ssyncset.done @!p0 $0x0  }
0x118: {  	[sflag:s0] =	ssyncadd.s32 @!p0 s1  }
0x119: {  	[bflag:$0x3] =	sbarrier.arrive $0xFFFF  }
0x11a: {  	_ =	shalt  }

// kernel: sparse-core-data-format-call.cloned.1.call-start
scs
called_computation_lowered:
.L_overlay_start_0:
0x0: {  	s2 =	sld [smem:$0x3FD9]  }
0x1: {  	s3 =	sld [smem:$0x3FFE];
	_ =	sdelay $0x1  }
0x2: {  	s1 =	srdreg.scid  }
0x3: {  	s0 =	sand.u32 $0x1, s1  }
0x4: {  	s18 =	sshll.u32 s0, $0xA;
	s2 =	sadd.s32 s3, s2  }
0x5: {  	s2 =	sadd.s32 s2, s18  }
0x6: {  	[smem:$0x3FC6] =	sst s2  }
0x7: {  	_ = 	snop  }
0x8: {  	s2 =	sld [smem:$0x3FD0];
	(tm) =	ssettm $0x1  }
0x9: {  	s19 =	sld [smem:$0x3FFB];
	_ =	sdelay $0x3  }
0xa: {  	_ =	strace s19  }
0xb: {  	s3 =	sld [smem:$0x3FFC];
	_ =	sdelay $0x3  }
0xc: {  	_ =	strace s3  }
0xd: {  	s3 =	sld [smem:$0x3FFD];
	_ =	sdelay $0x3  }
0xe: {  	_ =	strace s3  }
0xf: {  	_ =	strace $0x8FFFFFFF  }
0x10: {  	s20 =	sld [smem:$0x3FDB];
	_ =	sdelay $0x1  }
0x11: {  	s4 =	simm.s32 $_scs_section_size  }
0x12: {  	s5 =	simm.s32 $_size__tile_overlayer_lowered;
	s6 =	simm.s32 $_tile_overlayer_lowered  }
0x13: {  	s23 =	simm.s32 $0x1BFF;
	s22 =	sshll.u32 s6, $0x1;
	s3 =	sadd.s32 s4, s20  }
0x14: {  	s7 =	simm.s32 $0x0;
	s21 =	sshll.u32 s5, $0x1;
	s5 =	sadd.s32 s22, s3  }
0x15: {  	[timem:s7], [sflag:s23] =	dma.local [hbm:s5], s21  }
0x16: {  	_ =	swait.ge [sflag:s23], s21  }
0x17: {  	s4 =	ssub.s32 $0x0, s21;
	[sflag:s23] =	ssyncset.done $0x0  }
0x18: {  	[sflag:s23] =	ssyncadd.s32 s4;
	_ =	sdelay $0x1  }
0x19: {  	s24 =	simm.s32 $0x1B8B  }
0x1a: {  	_ =	swait.ge [sflag:s24], $0x1  }
0x1b: {  	[sflag:s24] =	ssyncset.done $0x0  }
0x1c: {  	s26 =	simm.s32 $0x1B8E;
	s25 =	sld [smem:$0x3FFE];
	[sflag:s24] =	ssyncadd.s32 $0xFFFFFFFF  }
0x1d: {  	s27 =	simm.s32 $execute0_lowered;
	[smem:$0x3FD2] =	sst s26  }
0x1e: {  	s5 =	sshll.u32 s27, $0x1;
	_ =	strace $0x80000049;
	[dreg:$0x1] =	wrdreg $0xFFFFFFFF  }
0x1f: {  	s28 =	simm.s32 $_size_execute0_lowered;
	s3 =	sadd.s32 s3, s5;
	[dreg:$0x0] =	wrdreg $0x0  }
0x20: {  	s5 =	sshll.u32 s28, $0x1;
	[dreg:$0x2] =	wrdreg s3  }
0x21: {  	[dreg:$0x3] =	wrdreg s5  }
0x22: {  	[dreg:$0x4] =	wrdreg $0xC0  }
0x23: {  	_ =	task [dreg:s7], $0x5FFFF  }
0x24: {  	[dreg:$0x1] =	wrdreg $0xFFFFFFFF  }
0x25: {  	[dreg:$0x0] =	wrdreg $0x60  }
0x26: {  	[dreg:$0x2] =	wrdreg s25  }
0x27: {  	[dreg:$0x3] =	wrdreg s2  }
0x28: {  	[dreg:$0x4] =	wrdreg $0x9  }
0x29: {  	_ =	task.clear_ibuf [dreg:s7], $0x5FFFF;
	_ =	strace $0x90000049  }
0x2a: {  	s29 =	simm.s32 $0x9;
	_ =	strace $0x8000004B  }
0x2b: {  	_ =	swait.ge [sflag:s29], $0x1  }
0x2c: {  	[sflag:s29] =	ssyncadd.s32 $0xFFFFFFFF  }
0x2d: {  	_ =	strace $0x9000004B  }
0x2e: {  	_ =	sfence  }
0x2f: {  	s30 =	sld [smem:$0x0];
	_ =	sdelay $0x2  }
0x30: {  	s31 =	sshll.u32 s1, $0xD;
	s1 =	sshrl.u32 s1, $0x2  }
0x31: {  	s3 =	sand.u32 $0x4000, s31;
	s1 =	sadd.s32 s1, s30  }
0x32: {  	s0 =	sor.u32 s3, s0;
	s1 =	sshll.u32 s1, $0x11  }
0x33: {  	s0 =	sor.u32 s1, s0  }
0x34: {  	s0 =	sadd.s32 $0x8F2B, s0  }
0x35: {  	[sflag:s0] =	ssyncadd.remote.s32 $0x1  }
0x36: {  	_ =	sfence.sel $0xFFFF  }
0x37: {  	[dreg:$0x0] =	wrdreg $0xFFFFFFFF;
	(pc) =	sbr.abs _section_cstart, $3  }
0x38: {  	[dreg:$0x1] =	wrdreg $0xFFFFFFFF  }
0x39: {  	_ =	task.clear_ibuf [dreg:s7], $0x2FFFF;
	_ =	strace $0x9FFFFFFF  }
0x3a: {  	(tm) =	ssettm $0x7FFFFFFF  }
0x3b: {  	_ =	shalt  }
tec
execute0_lowered:
.L_overlay_start_1:
0x0: {  	(tag) =	ssettag $0x1  }
0x1: {  	s0 =	srdreg.scid  }
0x2: {  	s1 =	sshll.u32 s0, $0x4  }
0x3: {  	s0 =	stileid.u32;
	s1 =	sand.u32 $0x10, s1  }
0x4: {  	s1 =	sor.u32 s0, s1  }
0x5: {  	s6 =	rddreg [dreg:$0x0];
	s4 =	simm.s32 $0x1;
	s2 =	sshll.u32 s1, $0x7  }
0x6: {  	s7 =	simm.s32 $0x2;
	s12 =	simm.s32 $0x0;
	s1 =	ssub.s32 $0x1000, s2  }
0x7: {  	s8 =	simm.s32 $0x8000;
	s13 =	simm.s32 $0x0;
	s3 =	sand.u32 $0xF80, s1  }
0x8: {  	s9 =	simm.s32 $0x0;
	s5 =	sshrl.u32 s1, $0xC;
	p0 =	sne.s32 s3, $0x0  }
.Ltmp0:
0x9: {  	s1 =	rddreg [dreg:$0x2];
	s4 =	simm.s32 @!p0 $0x0;
	(pc) =	sbr.rel .LBB1_1-.Ltmp0, $4  }
0xa: {  	s11 =	simm.s32 $0x0;
	s3 =	rddreg [dreg:$0x1];
	s5 =	sadd.s32 s4, s5  }
0xb: {  	_ =	strace $0x8000004A;
	s4 =	simm.s32 $0x1;
	s5 =	smul.u32 $0xC8, s5  }
0xc: {  	s6 =	sadd.s32 $0x800800, s6;
	s10 =	smov.u32 s2;
	[sflag:s4] =	ssyncpa.u1 $0x0  }
0xd: {  	p0 =	por $0x0, $0x0;
	[sflag:s7] =	ssyncpa.u1 $0x0;
	s7 =	sor.u32 $0x1, s5  }
.LBB1_4:
0xe: {  	s16 =	sshll.u32 s13, $0x3;
	s17 =	sand.u32 $0x78, s13  }
0xf: {  	s30 =	sand.u32 $0x7E00, s13;
	s12 =	sshll.u32 s12, $0xF;
	s16 =	sand.u32 $0xC00, s16  }
0x10: {  	[tilespmem:s15+$0x810 ss:$0x81] =	vst.msk $0xffff, v2;
	s31 =	sand.u32 $0x7, s13;
	s16 =	sor.u32 s17, s16;
	s17 =	sadd.s32 s3, s30  }
0x11: {  	[tilespmem:s15+$0x1020 ss:$0x81] =	vst.msk $0xffff, v0;
	s13 =	sshll.u32 s31, $0x12;
	s12 =	sadd.s32 s12, s17;
	s16 =	sshrl.u32 s16, $0x3  }
0x12: {  	[tilespmem:s15+$0x0 ss:$0x81] =	vst.msk $0xffff, v1;
	s13 =	sor.u32 $0x400, s13;
	s12 =	sadd.s32 s16, s12  }
0x13: {  	[hbm4b:s12+s13] =	stream.strided.scatter [tilespmem:s14], [sflag:$0x2], $0x2000, s8, s13, $0x20;
	[tilespmem:$0x8080] =	vst v63  }
.LBB1_5:
0x14: {  	s14 =	sadd.s32 $0x1, s9  }
0x15: {  	s12 =	sadd.s32 $0x1000, s10;
	s16 =	smov.u32 s10;
	p2 =	sgt.s32 s14, $0xC7  }
0x16: {  	s16 =	smov.u32 @p2 s12  }
0x17: {  	s14 =	simm.s32 @p2 $0x0;
	p2 =	sgt.s32 s16, $0xFFF  }
0x18: {  	s16 =	smov.u32 @p2 s2;
	p2 =	sne.s32 s11, s7  }
.Ltmp1:
0x19: {  	p1 =	slt.u32 s11, $0x2;
	(pc) =	sbr.rel @!p2 .LBB1_6-.Ltmp1, $4  }
0x1a: {  	s15 =	simm.s32 @!p1 $0x2  }
0x1b: {  	s13 =	smov.u32 s10;
	p0 =	por !p0, !p0;
	_ =	swait.ge @!p1 [sflag:s15], $0x2000  }
0x1c: {  	s12 =	smov.u32 s9;
	[sflag:s15] =	ssyncset.done @!p1 $0x0;
	s9 =	smov.u32 s14  }
0x1d: {  	s11 =	sadd.s32 $0x1, s11;
	[sflag:s15] =	ssyncadd.s32 @!p1 $0xFFFFE000;
	s10 =	smov.u32 s16  }
.LBB1_1:
0x1e: {  	p1 =	sge.u32 s11, s5  }
0x1f: {  	s14 =	sand.u32 @!p1 $0x1FFFFFF, s9  }
0x20: {  	s15 =	smulhi.u32 @!p1 $0x147AE15, s14;
	_ =	sdelay $0x1  }
0x21: {  	s15 =	smul.u32 @!p1 $0xC8, s15  }
0x22: {  	s16 =	sxor.u32 @!p1 $0xFFFFFFFF, s11;
	s17 =	smul.u32 @!p1 $0xC80, s10  }
0x23: {  	s31 =	sadd.s32 $0xFFFFFFFF, s11;
	s16 =	sshll.u32 @!p1 s16, $0xD;
	s14 =	ssub.s32 @!p1 s14, s15  }
0x24: {  	s15 =	sand.u32 @!p1 $0x2000, s16;
	s16 =	sadd.s32 @!p1 s6, s17;
	s14 =	sshll.u32 @!p1 s14, $0x4  }
0x25: {  	s17 =	simm.s32 @!p1 $0x6400;
	s14 =	sadd.s32 @!p1 s14, s16;
	s16 =	simm.s32 @!p1 $0x40  }
0x26: {  	[tilespmem:s15], [sflag:$0x1] =	stream.strided.gather @!p1 [hbm4b:s14+s16], $0x2000, s17, s16, $0x38;
	[tilespmem:$0x8080] =	vst v63  }
0x27: {  	p1 =	sge.u32 s31, s5  }
.Ltmp2:
0x28: {  	_ = 	snop;
	(pc) =	sbr.rel @p1 .LBB1_5-.Ltmp2, $1  }
0x29: {  	_ =	sdelay $0x3  }
0x2a: {  	s14 =	simm.s32 $0x1  }
0x2b: {  	_ =	swait.ge [sflag:s4], $0x2000;
	s14 =	simm.s32 @!p0 $0x0  }
0x2c: {  	[sflag:s4] =	ssyncset.done $0x0;
	s15 =	sshll.u32 s14, $0xD  }
0x2d: {  	[sflag:s4] =	ssyncadd.s32 $0xFFFFE000;
	s18 =	sor.u32 $0x20, s15  }
0x2e: {  	s14 =	smul.u32 $0x8100, s14;
	v3 =	vld [tilespmem:s18+$0x10]  }
0x2f: {  	s30 =	sand.u32 $0x1, s11;
	v2 =	vld [tilespmem:s18+$0xFFFFFFF0]  }
0x30: {  	s15 =	smul.u32 $0x8100, s30;
	s14 =	sshrl.u32 s14, $0x2;
	v0 =	vld [tilespmem:s18+$0x0]  }
0x31: {  	v1 =	vld [tilespmem:s18+$0xFFFFFFE0];
	s16 =	sor.u32 $0x4000, s14  }
0x32: {  	s31 =	sshrl.u32 s15, $0x2;
	s15 =	sadd.s32 $0x0, s16  }
0x33: {  	s17 =	simm.s32 $0x4;
	s18 =	sadd.s32 $0x40, s18;
	s14 =	sor.u32 $0x4000, s31;
	[tilespmem:s15+$0x1830 ss:$0x81] =	vst.msk $0xffff, v3  }
.LBB1_3:
0x34: {  	v3 =	vld [tilespmem:s18+$0x10];
	p1 =	sne.s32 s17, $0x1FC;
	[tilespmem:s15+$0x810 ss:$0x81] =	vst.msk $0xffff, v2;
	s19 =	smov.u32 s17;
	s17 =	sadd.s32 $0x4, s17  }
.Ltmp3:
0x35: {  	v2 =	vld [tilespmem:s18+$0xFFFFFFF0];
	[tilespmem:s15+$0x1020 ss:$0x81] =	vst.msk $0xffff, v0;
	(pc) =	sbr.rel @p1 .LBB1_3-.Ltmp3, $4  }
0x36: {  	v0 =	vld [tilespmem:s18+$0x0];
	[tilespmem:s15+$0x0 ss:$0x81] =	vst.msk $0xffff, v1  }
0x37: {  	s15 =	sshra.s32 s19, $0x2;
	v1 =	vld [tilespmem:s18+$0xFFFFFFE0]  }
0x38: {  	s15 =	sadd.s32 s15, s16  }
0x39: {  	s18 =	sadd.s32 $0x40, s18;
	[tilespmem:s15+$0x1830 ss:$0x81] =	vst.msk $0xffff, v3  }
.Ltmp4:
0x3a: {  	_ = 	snop;
	(pc) =	sbr.rel .LBB1_4-.Ltmp4, $1  }
0x3b: {  	_ =	sdelay $0x3  }
.LBB1_6:
0x3c: {  	_ =	sfence.sel $0x180000  }
0x3d: {  	s2 =	simm.s32 $0x1;
	[bflag:$0x0] =	sbarrier.arrive $0xFFFF  }
0x3e: {  	s31 =	simm.s32 $0x2;
	[sflag:s2] =	ssyncpa.u1 $0x1  }
0x3f: {  	[sflag:s31] =	ssyncpa.u1 $0x1  }
0x40: {  	p0 =	sne.s32 s0, $0x0;
	_ =	strace $0x9000004A  }
0x41: {  	s0 =	sadd.s32 @!p0 $0x100000, s1;
	[bflag:$0x2] =	sbarrier.arrive $0xFFFF  }
0x42: {  	[sflag:s0] =	ssyncadd.tile.s32 @!p0 $0x1;
	_ =	shalt  }
.Lfunc_end1:
_tile_overlayer_lowered:
.L_overlay_start_2:
0x43: {  	(tag) =	ssettag $0x2  }
0x44: {  	s0 =	rddreg [dreg:$0x0];
	s2 =	stileid.u32  }
0x45: {  	s1 =	rddreg [dreg:$0x1];
	p0 =	sne.s32 s2, $0x0  }
0x46: {  	s3 =	rddreg [dreg:$0x2];
	[bflag:$0x3] =	sbarrier.arrive $0xFFFF;
	s2 =	simm.s32 @!p0 $0x1C01  }
0x47: {  	[timem:s3], [sflag:s2] =	dma.local @!p0 [hbm:s0], s1  }
0x48: {  	s0 =	simm.s32 @!p0 $0x1  }
0x49: {  	_ =	swait.ge @!p0 [sflag:s0], s1  }
0x4a: {  	s1 =	ssub.s32 @!p0 $0x0, s1;
	[sflag:s0] =	ssyncset.done @!p0 $0x0  }
0x4b: {  	[sflag:s0] =	ssyncadd.s32 @!p0 s1  }
0x4c: {  	[bflag:$0x3] =	sbarrier.arrive $0xFFFF  }
0x4d: {  	_ =	shalt  }

</sc_bundles>
